<compile_context>
chip_gen: v7x
topology: tpu7x:2x2x1
jax: 0.10.2.dev20260603
libtpu: 0.0.44.dev20260713+nightly
codegen_flags: <defaults>
</compile_context>

<pallas_src>
import functools

import jax
import jax.numpy as jnp
from jax import lax
from jax.experimental import pallas as pl
from jax.experimental.pallas import tpu as pltpu
from jax.experimental.pallas import tpu_sc as plsc

NC = 2
NS = 16
L = 16

def _group_scores(u_ref, v_ref, e0, d_half, lane):
    rows = e0 + lane
    unroll = 16

    def step_block(tb, accs):
        a0, a1 = accs
        cbase = lane + tb * unroll
        for half in range(unroll // 8):
            sub = jnp.zeros((2 * L,), jnp.bfloat16)
            for dt in range(half * 8, half * 8 + 8):
                cols = (cbase + dt) & (d_half - 1)
                wu = plsc.bitcast(plsc.load_gather(u_ref, [rows, cols]), jnp.bfloat16)
                wv = plsc.bitcast(plsc.load_gather(v_ref, [rows, cols]), jnp.bfloat16)
                sub = sub + wu * wv
            p0, p1 = plsc.unpack(sub, format=plsc.PackFormat.INTERLEAVED)
            a0 = a0 + p0
            a1 = a1 + p1
        return a0, a1

    zero = jnp.zeros((L,), jnp.float32)
    a0, a1 = lax.fori_loop(0, d_half // unroll, step_block, (zero, zero))
    return a0 + a1


def _make_kernel(d_half, n_edges):
    nw = NC * NS
    assert d_half % L == 0 and (d_half & (d_half - 1)) == 0
    per_w = n_edges // nw
    assert per_w * nw == n_edges and per_w % 8 == 0
    chunk = 80
    while per_w % chunk:
        chunk -= 16
    n_chunks = per_w // chunk
    assert n_chunks >= 3 and n_chunks % 2 == 1
    groups = chunk // L

    mesh = plsc.VectorSubcoreMesh(
        core_axis_name="c", subcore_axis_name="s",
        num_cores=NC, num_subcores=NS)

    @functools.partial(
        pl.kernel,
        out_type=jax.ShapeDtypeStruct((n_edges,), jnp.float32),
        mesh=mesh,
        compiler_params=pltpu.CompilerParams(
            needs_layout_passes=False, use_tc_tiling_on_sc=False),
        scratch_types=[
            pltpu.VMEM((per_w,), jnp.int32),
            pltpu.VMEM((per_w,), jnp.int32),
            pltpu.VMEM((per_w,), jnp.float32),
            pltpu.VMEM((chunk, d_half), jnp.int32),
            pltpu.VMEM((chunk, d_half), jnp.int32),
            pltpu.VMEM((chunk, d_half), jnp.int32),
            pltpu.VMEM((chunk, d_half), jnp.int32),
            pltpu.SemaphoreType.DMA,
            pltpu.SemaphoreType.DMA,
        ],
    )
    def k(embed_hbm, edge_hbm, out_hbm,
          src_v, dst_v, out_v, u0_v, v0_v, u1_v, v1_v, s0, s1):
        wid = lax.axis_index("s") * NC + lax.axis_index("c")
        base = wid * per_w
        pltpu.sync_copy(edge_hbm.at[0, pl.ds(base, per_w)], src_v)
        pltpu.sync_copy(edge_hbm.at[1, pl.ds(base, per_w)], dst_v)

        lane = lax.iota(jnp.int32, L)

        def issue(ci, u_buf, v_buf, sem):
            off = ci * chunk
            pltpu.async_copy(embed_hbm.at[src_v.at[pl.ds(off, chunk)]], u_buf, sem)
            pltpu.async_copy(embed_hbm.at[dst_v.at[pl.ds(off, chunk)]], v_buf, sem)

        def drain(u_buf, v_buf, sem):
            pltpu.make_async_copy(embed_hbm.at[src_v.at[pl.ds(0, chunk)]], u_buf, sem).wait()
            pltpu.make_async_copy(embed_hbm.at[dst_v.at[pl.ds(0, chunk)]], v_buf, sem).wait()

        def compute(ci, u_buf, v_buf):
            off = ci * chunk

            def group_body(g):
                r = _group_scores(u_buf, v_buf, g * L, d_half, lane)
                out_v[pl.ds(off + g * L, L)] = r

            plsc.parallel_loop(0, groups)(group_body)

        issue(0, u0_v, v0_v, s0)
        issue(1, u1_v, v1_v, s1)

        def pair_body(t, carry):
            i = t * 2
            drain(u0_v, v0_v, s0)
            compute(i, u0_v, v0_v)
            issue(i + 2, u0_v, v0_v, s0)
            drain(u1_v, v1_v, s1)
            compute(i + 1, u1_v, v1_v)
            issue(jnp.minimum(i + 3, n_chunks - 1), u1_v, v1_v, s1)
            return carry

        lax.fori_loop(0, (n_chunks - 1) // 2, pair_body, None)

        drain(u0_v, v0_v, s0)
        compute(n_chunks - 1, u0_v, v0_v)
        drain(u1_v, v1_v, s1)

        pltpu.sync_copy(out_v, out_hbm.at[pl.ds(base, per_w)])

    return k


def kernel(embed, edge_index):
    n_nodes, d_feat = embed.shape
    n_edges = edge_index.shape[1]
    dh = d_feat // 2
    u = jax.lax.bitcast_convert_type(embed, jnp.uint32)
    r = u + 0x7FFF + ((u >> 16) & 1)
    packed = jax.lax.bitcast_convert_type(
        (r[:, :dh] >> 16) | (r[:, dh:] & jnp.uint32(0xFFFF0000)), jnp.int32)
    k = _make_kernel(dh, n_edges)
    if edge_index.dtype != jnp.int32:
        edge_index = edge_index.astype(jnp.int32)
    return k(packed, edge_index)

# --- scband reference (transcript-rebuilt; emitter-appended) ---
"""Pipeline reference for scband-dot-predictor-32023276159007 (READ-ONLY COPY).

The authoritative reference and input builder live on the scoring server;
editing this copy changes nothing except your own understanding.
"""

import jax, jax.numpy as jnp
import numpy as np

N_NODES = 10000
N_EDGES = 320000
D_FEAT = 128

def setup_inputs(seed: int = 0) -> dict:
    key = jax.random.key(seed)
    k1, k2 = jax.random.split(key)
    embed = jax.random.normal(k1, (N_NODES, D_FEAT), dtype=jnp.float32)
    edge_index = jax.random.randint(k2, (2, N_EDGES), 0, N_NODES, dtype=jnp.int64)
    return {"embed": embed, "edge_index": edge_index}

def reference(embed, edge_index):
    # DotPredictor: for each edge (u, v), score = dot(embed[u], embed[v])
    # Equivalent to dgl fn.u_dot_v('embed', 'embed', 'score') then edata['score'][:, 0]
    src = edge_index[0]
    dst = edge_index[1]
    u = jnp.take(embed, src, axis=0)  # gather src node embeddings [E, d]
    v = jnp.take(embed, dst, axis=0)  # gather dst node embeddings [E, d]
    score = jnp.sum(u * v, axis=-1)   # [E]
    return score

if __name__ == "__main__":
    import jax
    _d = setup_inputs()
    print(jax.jit(kernel)(*tuple(_d.values())))

</pallas_src>

<mosaic_0001>
#map = affine_map<(d0, d1) -> (0, 0)>
#map1 = affine_map<(d0, d1) -> (0)>
module attributes {stable_mosaic.version = 14 : i64} {
  func.func @k(%arg0: i32, %arg1: i32, %arg2: memref<10000x64xi32, #tpu.memory_space<hbm>>, %arg3: memref<2x320000xi32, #tpu.memory_space<hbm>>, %arg4: memref<320000xf32, #tpu.memory_space<hbm>>, %arg5: memref<10000xi32, #tpu.memory_space<vmem>>, %arg6: memref<10000xi32, #tpu.memory_space<vmem>>, %arg7: memref<10000xf32, #tpu.memory_space<vmem>>, %arg8: memref<80x64xi32, #tpu.memory_space<vmem>>, %arg9: memref<80x64xi32, #tpu.memory_space<vmem>>, %arg10: memref<80x64xi32, #tpu.memory_space<vmem>>, %arg11: memref<80x64xi32, #tpu.memory_space<vmem>>, %arg12: memref<!tpu.dma_semaphore, #tpu.memory_space<semaphore_mem>>, %arg13: memref<!tpu.dma_semaphore, #tpu.memory_space<semaphore_mem>>) attributes {dimension_semantics = [#tpu.dimension_semantics<core_parallel>, #tpu.dimension_semantics<subcore_parallel>], iteration_bounds = array<i64: 2, 16>, scalar_prefetch = 0 : i64, scratch_operands = 9 : i64, tpu.core_type = #tpu.core_type<sc_vector_subcore>, window_params = [{transform_indices = #map}, {transform_indices = #map}, {transform_indices = #map1}]} {
    %mul3A = arith.constant 2 : i32
    %mul3A_0 = arith.muli %arg1, %mul3A : i32
    %add3A = arith.addi %mul3A_0, %arg0 : i32
    %mul3A_1 = arith.constant 10000 : i32
    %mul3A_2 = arith.muli %add3A, %mul3A_1 : i32
    %run_scoped3A = arith.constant 0 : i32
    "tpu.region"() ({
      %run_scoped3A_48 = tpu.sem_alloc : memref<!tpu.dma_semaphore, #tpu.memory_space<semaphore_mem>>
      %dma_start3A_49 = tpu.memref_slice %arg3[%run_scoped3A, %mul3A_2] : memref<2x320000xi32, #tpu.memory_space<hbm>> -> memref<1x10000xi32, #tpu.memory_space<hbm>>
      %dma_start3A_50 = tpu.memref_squeeze %dma_start3A_49 : memref<1x10000xi32, #tpu.memory_space<hbm>> -> memref<10000xi32, #tpu.memory_space<hbm>>
      %dma_start3A_51 = tpu.memref_slice %arg3[%run_scoped3A, %mul3A_2] : memref<2x320000xi32, #tpu.memory_space<hbm>> -> memref<1x10000xi32, #tpu.memory_space<hbm>>
      %dma_start3A_52 = tpu.memref_squeeze %dma_start3A_51 : memref<1x10000xi32, #tpu.memory_space<hbm>> -> memref<10000xi32, #tpu.memory_space<hbm>>
      tpu.enqueue_dma source(%dma_start3A_52 : memref<10000xi32, #tpu.memory_space<hbm>>) target(%arg5 : memref<10000xi32, #tpu.memory_space<vmem>>) target_semaphore(%run_scoped3A_48 : memref<!tpu.dma_semaphore, #tpu.memory_space<semaphore_mem>>)
      %dma_wait3A_53 = tpu.memref_slice %arg3[%run_scoped3A, %mul3A_2] : memref<2x320000xi32, #tpu.memory_space<hbm>> -> memref<1x10000xi32, #tpu.memory_space<hbm>>
      %dma_wait3A_54 = tpu.memref_squeeze %dma_wait3A_53 : memref<1x10000xi32, #tpu.memory_space<hbm>> -> memref<10000xi32, #tpu.memory_space<hbm>>
      %dma_wait3A_55 = tpu.memref_slice %arg3[%run_scoped3A, %mul3A_2] : memref<2x320000xi32, #tpu.memory_space<hbm>> -> memref<1x10000xi32, #tpu.memory_space<hbm>>
      %dma_wait3A_56 = tpu.memref_squeeze %dma_wait3A_55 : memref<1x10000xi32, #tpu.memory_space<hbm>> -> memref<10000xi32, #tpu.memory_space<hbm>>
      tpu.wait_dma2 semaphore(%run_scoped3A_48 : memref<!tpu.dma_semaphore, #tpu.memory_space<semaphore_mem>>) src(%dma_wait3A_56 : memref<10000xi32, #tpu.memory_space<hbm>>) dst(%arg5 : memref<10000xi32, #tpu.memory_space<vmem>>)
      tpu.yield
    }) : () -> ()
    %run_scoped3A_3 = arith.constant 1 : i32
    "tpu.region"() ({
      %run_scoped3A_48 = tpu.sem_alloc : memref<!tpu.dma_semaphore, #tpu.memory_space<semaphore_mem>>
      %dma_start3A_49 = tpu.memref_slice %arg3[%run_scoped3A_3, %mul3A_2] : memref<2x320000xi32, #tpu.memory_space<hbm>> -> memref<1x10000xi32, #tpu.memory_space<hbm>>
      %dma_start3A_50 = tpu.memref_squeeze %dma_start3A_49 : memref<1x10000xi32, #tpu.memory_space<hbm>> -> memref<10000xi32, #tpu.memory_space<hbm>>
      %dma_start3A_51 = tpu.memref_slice %arg3[%run_scoped3A_3, %mul3A_2] : memref<2x320000xi32, #tpu.memory_space<hbm>> -> memref<1x10000xi32, #tpu.memory_space<hbm>>
      %dma_start3A_52 = tpu.memref_squeeze %dma_start3A_51 : memref<1x10000xi32, #tpu.memory_space<hbm>> -> memref<10000xi32, #tpu.memory_space<hbm>>
      tpu.enqueue_dma source(%dma_start3A_52 : memref<10000xi32, #tpu.memory_space<hbm>>) target(%arg6 : memref<10000xi32, #tpu.memory_space<vmem>>) target_semaphore(%run_scoped3A_48 : memref<!tpu.dma_semaphore, #tpu.memory_space<semaphore_mem>>)
      %dma_wait3A_53 = tpu.memref_slice %arg3[%run_scoped3A_3, %mul3A_2] : memref<2x320000xi32, #tpu.memory_space<hbm>> -> memref<1x10000xi32, #tpu.memory_space<hbm>>
      %dma_wait3A_54 = tpu.memref_squeeze %dma_wait3A_53 : memref<1x10000xi32, #tpu.memory_space<hbm>> -> memref<10000xi32, #tpu.memory_space<hbm>>
      %dma_wait3A_55 = tpu.memref_slice %arg3[%run_scoped3A_3, %mul3A_2] : memref<2x320000xi32, #tpu.memory_space<hbm>> -> memref<1x10000xi32, #tpu.memory_space<hbm>>
      %dma_wait3A_56 = tpu.memref_squeeze %dma_wait3A_55 : memref<1x10000xi32, #tpu.memory_space<hbm>> -> memref<10000xi32, #tpu.memory_space<hbm>>
      tpu.wait_dma2 semaphore(%run_scoped3A_48 : memref<!tpu.dma_semaphore, #tpu.memory_space<semaphore_mem>>) src(%dma_wait3A_56 : memref<10000xi32, #tpu.memory_space<hbm>>) dst(%arg6 : memref<10000xi32, #tpu.memory_space<vmem>>)
      tpu.yield
    }) : () -> ()
    %iota3A = tpu.iota {dimensions = array<i32: 0>} : vector<16xi32>
    %dma_start3A = arith.constant 0 : i32
    %dma_start3A_4 = tpu.memref_slice %arg5[%dma_start3A] : memref<10000xi32, #tpu.memory_space<vmem>> -> memref<80xi32, #tpu.memory_space<vmem>>
    %dma_start3A_5 = arith.constant 0 : i32
    %dma_start3A_6 = arith.constant 0 : i32
    %dma_start3A_7 = tpu.memref_slice %arg2[%dma_start3A_5, %dma_start3A_6] : memref<10000x64xi32, #tpu.memory_space<hbm>> -> memref<10000x64xi32, #tpu.memory_space<hbm>>
    tpu.enqueue_indirect_dma source(%dma_start3A_7 : memref<10000x64xi32, #tpu.memory_space<hbm>>) target(%arg8 : memref<80x64xi32, #tpu.memory_space<vmem>>) offsets(%dma_start3A_4 : memref<80xi32, #tpu.memory_space<vmem>>) semaphore(%arg12 : memref<!tpu.dma_semaphore, #tpu.memory_space<semaphore_mem>>)
    %dma_start3A_8 = arith.constant 0 : i32
    %dma_start3A_9 = tpu.memref_slice %arg6[%dma_start3A_8] : memref<10000xi32, #tpu.memory_space<vmem>> -> memref<80xi32, #tpu.memory_space<vmem>>
    %dma_start3A_10 = arith.constant 0 : i32
    %dma_start3A_11 = arith.constant 0 : i32
    %dma_start3A_12 = tpu.memref_slice %arg2[%dma_start3A_10, %dma_start3A_11] : memref<10000x64xi32, #tpu.memory_space<hbm>> -> memref<10000x64xi32, #tpu.memory_space<hbm>>
    tpu.enqueue_indirect_dma source(%dma_start3A_12 : memref<10000x64xi32, #tpu.memory_space<hbm>>) target(%arg9 : memref<80x64xi32, #tpu.memory_space<vmem>>) offsets(%dma_start3A_9 : memref<80xi32, #tpu.memory_space<vmem>>) semaphore(%arg12 : memref<!tpu.dma_semaphore, #tpu.memory_space<semaphore_mem>>)
    %dma_start3A_13 = arith.constant 80 : i32
    %dma_start3A_14 = tpu.memref_slice %arg5[%dma_start3A_13] : memref<10000xi32, #tpu.memory_space<vmem>> -> memref<80xi32, #tpu.memory_space<vmem>>
    %dma_start3A_15 = arith.constant 0 : i32
    %dma_start3A_16 = arith.constant 0 : i32
    %dma_start3A_17 = tpu.memref_slice %arg2[%dma_start3A_15, %dma_start3A_16] : memref<10000x64xi32, #tpu.memory_space<hbm>> -> memref<10000x64xi32, #tpu.memory_space<hbm>>
    tpu.enqueue_indirect_dma source(%dma_start3A_17 : memref<10000x64xi32, #tpu.memory_space<hbm>>) target(%arg10 : memref<80x64xi32, #tpu.memory_space<vmem>>) offsets(%dma_start3A_14 : memref<80xi32, #tpu.memory_space<vmem>>) semaphore(%arg13 : memref<!tpu.dma_semaphore, #tpu.memory_space<semaphore_mem>>)
    %dma_start3A_18 = arith.constant 80 : i32
    %dma_start3A_19 = tpu.memref_slice %arg6[%dma_start3A_18] : memref<10000xi32, #tpu.memory_space<vmem>> -> memref<80xi32, #tpu.memory_space<vmem>>
    %dma_start3A_20 = arith.constant 0 : i32
    %dma_start3A_21 = arith.constant 0 : i32
    %dma_start3A_22 = tpu.memref_slice %arg2[%dma_start3A_20, %dma_start3A_21] : memref<10000x64xi32, #tpu.memory_space<hbm>> -> memref<10000x64xi32, #tpu.memory_space<hbm>>
    tpu.enqueue_indirect_dma source(%dma_start3A_22 : memref<10000x64xi32, #tpu.memory_space<hbm>>) target(%arg11 : memref<80x64xi32, #tpu.memory_space<vmem>>) offsets(%dma_start3A_19 : memref<80xi32, #tpu.memory_space<vmem>>) semaphore(%arg13 : memref<!tpu.dma_semaphore, #tpu.memory_space<semaphore_mem>>)
    %scan3A = arith.constant 0 : i32
    %scan3A_23 = arith.constant 62 : i32
    %scan3A_24 = arith.addi %scan3A, %scan3A_23 : i32
    %scan3A_25 = arith.constant 1 : i32
    scf.for %scan3A_48 = %scan3A to %scan3A_24 step %scan3A_25  : i32 {
      %mul3A_49 = arith.constant 2 : i32
      %mul3A_50 = arith.muli %scan3A_48, %mul3A_49 : i32
      %dma_wait3A_51 = arith.constant 0 : i32
      %dma_wait3A_52 = tpu.memref_slice %arg5[%dma_wait3A_51] : memref<10000xi32, #tpu.memory_space<vmem>> -> memref<80xi32, #tpu.memory_space<vmem>>
      %dma_wait3A_53 = arith.constant 0 : i32
      %dma_wait3A_54 = arith.constant 0 : i32
      %dma_wait3A_55 = tpu.memref_slice %arg2[%dma_wait3A_53, %dma_wait3A_54] : memref<10000x64xi32, #tpu.memory_space<hbm>> -> memref<10000x64xi32, #tpu.memory_space<hbm>>
      tpu.wait_indirect_dma semaphore(%arg12 : memref<!tpu.dma_semaphore, #tpu.memory_space<semaphore_mem>>) src(%dma_wait3A_55 : memref<10000x64xi32, #tpu.memory_space<hbm>>) dst(%arg8 : memref<80x64xi32, #tpu.memory_space<vmem>>)
      %dma_wait3A_56 = arith.constant 0 : i32
      %dma_wait3A_57 = tpu.memref_slice %arg6[%dma_wait3A_56] : memref<10000xi32, #tpu.memory_space<vmem>> -> memref<80xi32, #tpu.memory_space<vmem>>
      %dma_wait3A_58 = arith.constant 0 : i32
      %dma_wait3A_59 = arith.constant 0 : i32
      %dma_wait3A_60 = tpu.memref_slice %arg2[%dma_wait3A_58, %dma_wait3A_59] : memref<10000x64xi32, #tpu.memory_space<hbm>> -> memref<10000x64xi32, #tpu.memory_space<hbm>>
      tpu.wait_indirect_dma semaphore(%arg12 : memref<!tpu.dma_semaphore, #tpu.memory_space<semaphore_mem>>) src(%dma_wait3A_60 : memref<10000x64xi32, #tpu.memory_space<hbm>>) dst(%arg9 : memref<80x64xi32, #tpu.memory_space<vmem>>)
      %mul3A_61 = arith.constant 80 : i32
      %mul3A_62 = arith.muli %mul3A_50, %mul3A_61 : i32
      %parallel_loop3A_63 = arith.constant 0 : i32
      %parallel_loop3A_64 = arith.constant 5 : i32
      %parallel_loop3A_65 = arith.constant 1 : i32
      scf.for %parallel_loop3A_108 = %parallel_loop3A_63 to %parallel_loop3A_64 step %parallel_loop3A_65  : i32 {
        %parallel_loop3A_109 = arith.constant 16 : i32
        %parallel_loop3A_110 = arith.muli %parallel_loop3A_108, %parallel_loop3A_109 : i32
        %parallel_loop3A_111 = vector.broadcast %parallel_loop3A_110 : i32 to vector<16xi32>
        %parallel_loop3A_112 = arith.addi %parallel_loop3A_111, %iota3A : vector<16xi32>
        %parallel_loop3A_113 = arith.constant 0.000000e+00 : f32
        %parallel_loop3A_114 = vector.broadcast %parallel_loop3A_113 : f32 to vector<16xf32>
        %parallel_loop3A_115 = arith.constant 0 : i32
        %parallel_loop3A_116 = arith.constant 4 : i32
        %parallel_loop3A_117 = arith.addi %parallel_loop3A_115, %parallel_loop3A_116 : i32
        %parallel_loop3A_118 = arith.constant 1 : i32
        %parallel_loop3A_119:2 = scf.for %scan3A_127 = %parallel_loop3A_115 to %parallel_loop3A_117 step %parallel_loop3A_118 iter_args(%scan3A_128 = %parallel_loop3A_114, %scan3A_129 = %parallel_loop3A_114) -> (vector<16xf32>, vector<16xf32>)  : i32 {
          %parallel_loop3A_130 = arith.constant 16 : i32
          %parallel_loop3A_131 = arith.muli %scan3A_127, %parallel_loop3A_130 : i32
          %parallel_loop3A_132 = vector.broadcast %parallel_loop3A_131 : i32 to vector<16xi32>
          %parallel_loop3A_133 = arith.addi %iota3A, %parallel_loop3A_132 : vector<16xi32>
          %parallel_loop3A_134 = arith.constant 0.000000e+00 : bf16
          %parallel_loop3A_135 = vector.broadcast %parallel_loop3A_134 : bf16 to vector<32xbf16>
          %parallel_loop3A_136 = arith.constant 0 : i32
          %parallel_loop3A_137 = vector.broadcast %parallel_loop3A_136 : i32 to vector<16xi32>
          %parallel_loop3A_138 = arith.addi %parallel_loop3A_133, %parallel_loop3A_137 : vector<16xi32>
          %parallel_loop3A_139 = arith.constant 63 : i32
          %parallel_loop3A_140 = vector.broadcast %parallel_loop3A_139 : i32 to vector<16xi32>
          %parallel_loop3A_141 = arith.andi %parallel_loop3A_138, %parallel_loop3A_140 : vector<16xi32>
          %parallel_loop3A_142 = tpu.vector_load_idx %arg8[%parallel_loop3A_112, %parallel_loop3A_141] : memref<80x64xi32, #tpu.memory_space<vmem>>[vector<16xi32>, vector<16xi32>], vector<16xi32>,
          %parallel_loop3A_143 = vector.bitcast %parallel_loop3A_142 : vector<16xi32> to vector<32xbf16>
          %parallel_loop3A_144 = tpu.vector_load_idx %arg9[%parallel_loop3A_112, %parallel_loop3A_141] : memref<80x64xi32, #tpu.memory_space<vmem>>[vector<16xi32>, vector<16xi32>], vector<16xi32>,
          %parallel_loop3A_145 = vector.bitcast %parallel_loop3A_144 : vector<16xi32> to vector<32xbf16>
          %parallel_loop3A_146 = arith.mulf %parallel_loop3A_143, %parallel_loop3A_145 : vector<32xbf16>
          %parallel_loop3A_147 = arith.addf %parallel_loop3A_135, %parallel_loop3A_146 : vector<32xbf16>
          %parallel_loop3A_148 = arith.constant 1 : i32
          %parallel_loop3A_149 = vector.broadcast %parallel_loop3A_148 : i32 to vector<16xi32>
          %parallel_loop3A_150 = arith.addi %parallel_loop3A_133, %parallel_loop3A_149 : vector<16xi32>
          %parallel_loop3A_151 = arith.constant 63 : i32
          %parallel_loop3A_152 = vector.broadcast %parallel_loop3A_151 : i32 to vector<16xi32>
          %parallel_loop3A_153 = arith.andi %parallel_loop3A_150, %parallel_loop3A_152 : vector<16xi32>
          %parallel_loop3A_154 = tpu.vector_load_idx %arg8[%parallel_loop3A_112, %parallel_loop3A_153] : memref<80x64xi32, #tpu.memory_space<vmem>>[vector<16xi32>, vector<16xi32>], vector<16xi32>,
          %parallel_loop3A_155 = vector.bitcast %parallel_loop3A_154 : vector<16xi32> to vector<32xbf16>
          %parallel_loop3A_156 = tpu.vector_load_idx %arg9[%parallel_loop3A_112, %parallel_loop3A_153] : memref<80x64xi32, #tpu.memory_space<vmem>>[vector<16xi32>, vector<16xi32>], vector<16xi32>,
          %parallel_loop3A_157 = vector.bitcast %parallel_loop3A_156 : vector<16xi32> to vector<32xbf16>
          %parallel_loop3A_158 = arith.mulf %parallel_loop3A_155, %parallel_loop3A_157 : vector<32xbf16>
          %parallel_loop3A_159 = arith.addf %parallel_loop3A_147, %parallel_loop3A_158 : vector<32xbf16>
          %parallel_loop3A_160 = arith.constant 2 : i32
          %parallel_loop3A_161 = vector.broadcast %parallel_loop3A_160 : i32 to vector<16xi32>
          %parallel_loop3A_162 = arith.addi %parallel_loop3A_133, %parallel_loop3A_161 : vector<16xi32>
          %parallel_loop3A_163 = arith.constant 63 : i32
          %parallel_loop3A_164 = vector.broadcast %parallel_loop3A_163 : i32 to vector<16xi32>
          %parallel_loop3A_165 = arith.andi %parallel_loop3A_162, %parallel_loop3A_164 : vector<16xi32>
          %parallel_loop3A_166 = tpu.vector_load_idx %arg8[%parallel_loop3A_112, %parallel_loop3A_165] : memref<80x64xi32, #tpu.memory_space<vmem>>[vector<16xi32>, vector<16xi32>], vector<16xi32>,
          %parallel_loop3A_167 = vector.bitcast %parallel_loop3A_166 : vector<16xi32> to vector<32xbf16>
          %parallel_loop3A_168 = tpu.vector_load_idx %arg9[%parallel_loop3A_112, %parallel_loop3A_165] : memref<80x64xi32, #tpu.memory_space<vmem>>[vector<16xi32>, vector<16xi32>], vector<16xi32>,
          %parallel_loop3A_169 = vector.bitcast %parallel_loop3A_168 : vector<16xi32> to vector<32xbf16>
          %parallel_loop3A_170 = arith.mulf %parallel_loop3A_167, %parallel_loop3A_169 : vector<32xbf16>
          %parallel_loop3A_171 = arith.addf %parallel_loop3A_159, %parallel_loop3A_170 : vector<32xbf16>
          %parallel_loop3A_172 = arith.constant 3 : i32
          %parallel_loop3A_173 = vector.broadcast %parallel_loop3A_172 : i32 to vector<16xi32>
          %parallel_loop3A_174 = arith.addi %parallel_loop3A_133, %parallel_loop3A_173 : vector<16xi32>
          %parallel_loop3A_175 = arith.constant 63 : i32
          %parallel_loop3A_176 = vector.broadcast %parallel_loop3A_175 : i32 to vector<16xi32>
          %parallel_loop3A_177 = arith.andi %parallel_loop3A_174, %parallel_loop3A_176 : vector<16xi32>
          %parallel_loop3A_178 = tpu.vector_load_idx %arg8[%parallel_loop3A_112, %parallel_loop3A_177] : memref<80x64xi32, #tpu.memory_space<vmem>>[vector<16xi32>, vector<16xi32>], vector<16xi32>,
          %parallel_loop3A_179 = vector.bitcast %parallel_loop3A_178 : vector<16xi32> to vector<32xbf16>
          %parallel_loop3A_180 = tpu.vector_load_idx %arg9[%parallel_loop3A_112, %parallel_loop3A_177] : memref<80x64xi32, #tpu.memory_space<vmem>>[vector<16xi32>, vector<16xi32>], vector<16xi32>,
          %parallel_loop3A_181 = vector.bitcast %parallel_loop3A_180 : vector<16xi32> to vector<32xbf16>
          %parallel_loop3A_182 = arith.mulf %parallel_loop3A_179, %parallel_loop3A_181 : vector<32xbf16>
          %parallel_loop3A_183 = arith.addf %parallel_loop3A_171, %parallel_loop3A_182 : vector<32xbf16>
          %parallel_loop3A_184 = arith.constant 4 : i32
          %parallel_loop3A_185 = vector.broadcast %parallel_loop3A_184 : i32 to vector<16xi32>
          %parallel_loop3A_186 = arith.addi %parallel_loop3A_133, %parallel_loop3A_185 : vector<16xi32>
          %parallel_loop3A_187 = arith.constant 63 : i32
          %parallel_loop3A_188 = vector.broadcast %parallel_loop3A_187 : i32 to vector<16xi32>
          %parallel_loop3A_189 = arith.andi %parallel_loop3A_186, %parallel_loop3A_188 : vector<16xi32>
          %parallel_loop3A_190 = tpu.vector_load_idx %arg8[%parallel_loop3A_112, %parallel_loop3A_189] : memref<80x64xi32, #tpu.memory_space<vmem>>[vector<16xi32>, vector<16xi32>], vector<16xi32>,
          %parallel_loop3A_191 = vector.bitcast %parallel_loop3A_190 : vector<16xi32> to vector<32xbf16>
          %parallel_loop3A_192 = tpu.vector_load_idx %arg9[%parallel_loop3A_112, %parallel_loop3A_189] : memref<80x64xi32, #tpu.memory_space<vmem>>[vector<16xi32>, vector<16xi32>], vector<16xi32>,
          %parallel_loop3A_193 = vector.bitcast %parallel_loop3A_192 : vector<16xi32> to vector<32xbf16>
          %parallel_loop3A_194 = arith.mulf %parallel_loop3A_191, %parallel_loop3A_193 : vector<32xbf16>
          %parallel_loop3A_195 = arith.addf %parallel_loop3A_183, %parallel_loop3A_194 : vector<32xbf16>
          %parallel_loop3A_196 = arith.constant 5 : i32
          %parallel_loop3A_197 = vector.broadcast %parallel_loop3A_196 : i32 to vector<16xi32>
          %parallel_loop3A_198 = arith.addi %parallel_loop3A_133, %parallel_loop3A_197 : vector<16xi32>
          %parallel_loop3A_199 = arith.constant 63 : i32
          %parallel_loop3A_200 = vector.broadcast %parallel_loop3A_199 : i32 to vector<16xi32>
          %parallel_loop3A_201 = arith.andi %parallel_loop3A_198, %parallel_loop3A_200 : vector<16xi32>
          %parallel_loop3A_202 = tpu.vector_load_idx %arg8[%parallel_loop3A_112, %parallel_loop3A_201] : memref<80x64xi32, #tpu.memory_space<vmem>>[vector<16xi32>, vector<16xi32>], vector<16xi32>,
          %parallel_loop3A_203 = vector.bitcast %parallel_loop3A_202 : vector<16xi32> to vector<32xbf16>
          %parallel_loop3A_204 = tpu.vector_load_idx %arg9[%parallel_loop3A_112, %parallel_loop3A_201] : memref<80x64xi32, #tpu.memory_space<vmem>>[vector<16xi32>, vector<16xi32>], vector<16xi32>,
          %parallel_loop3A_205 = vector.bitcast %parallel_loop3A_204 : vector<16xi32> to vector<32xbf16>
          %parallel_loop3A_206 = arith.mulf %parallel_loop3A_203, %parallel_loop3A_205 : vector<32xbf16>
          %parallel_loop3A_207 = arith.addf %parallel_loop3A_195, %parallel_loop3A_206 : vector<32xbf16>
          %parallel_loop3A_208 = arith.constant 6 : i32
          %parallel_loop3A_209 = vector.broadcast %parallel_loop3A_208 : i32 to vector<16xi32>
          %parallel_loop3A_210 = arith.addi %parallel_loop3A_133, %parallel_loop3A_209 : vector<16xi32>
          %parallel_loop3A_211 = arith.constant 63 : i32
          %parallel_loop3A_212 = vector.broadcast %parallel_loop3A_211 : i32 to vector<16xi32>
          %parallel_loop3A_213 = arith.andi %parallel_loop3A_210, %parallel_loop3A_212 : vector<16xi32>
          %parallel_loop3A_214 = tpu.vector_load_idx %arg8[%parallel_loop3A_112, %parallel_loop3A_213] : memref<80x64xi32, #tpu.memory_space<vmem>>[vector<16xi32>, vector<16xi32>], vector<16xi32>,
          %parallel_loop3A_215 = vector.bitcast %parallel_loop3A_214 : vector<16xi32> to vector<32xbf16>
          %parallel_loop3A_216 = tpu.vector_load_idx %arg9[%parallel_loop3A_112, %parallel_loop3A_213] : memref<80x64xi32, #tpu.memory_space<vmem>>[vector<16xi32>, vector<16xi32>], vector<16xi32>,
          %parallel_loop3A_217 = vector.bitcast %parallel_loop3A_216 : vector<16xi32> to vector<32xbf16>
          %parallel_loop3A_218 = arith.mulf %parallel_loop3A_215, %parallel_loop3A_217 : vector<32xbf16>
          %parallel_loop3A_219 = arith.addf %parallel_loop3A_207, %parallel_loop3A_218 : vector<32xbf16>
          %parallel_loop3A_220 = arith.constant 7 : i32
          %parallel_loop3A_221 = vector.broadcast %parallel_loop3A_220 : i32 to vector<16xi32>
          %parallel_loop3A_222 = arith.addi %parallel_loop3A_133, %parallel_loop3A_221 : vector<16xi32>
          %parallel_loop3A_223 = arith.constant 63 : i32
          %parallel_loop3A_224 = vector.broadcast %parallel_loop3A_223 : i32 to vector<16xi32>
          %parallel_loop3A_225 = arith.andi %parallel_loop3A_222, %parallel_loop3A_224 : vector<16xi32>
          %parallel_loop3A_226 = tpu.vector_load_idx %arg8[%parallel_loop3A_112, %parallel_loop3A_225] : memref<80x64xi32, #tpu.memory_space<vmem>>[vector<16xi32>, vector<16xi32>], vector<16xi32>,
          %parallel_loop3A_227 = vector.bitcast %parallel_loop3A_226 : vector<16xi32> to vector<32xbf16>
          %parallel_loop3A_228 = tpu.vector_load_idx %arg9[%parallel_loop3A_112, %parallel_loop3A_225] : memref<80x64xi32, #tpu.memory_space<vmem>>[vector<16xi32>, vector<16xi32>], vector<16xi32>,
          %parallel_loop3A_229 = vector.bitcast %parallel_loop3A_228 : vector<16xi32> to vector<32xbf16>
          %parallel_loop3A_230 = arith.mulf %parallel_loop3A_227, %parallel_loop3A_229 : vector<32xbf16>
          %parallel_loop3A_231 = arith.addf %parallel_loop3A_219, %parallel_loop3A_230 : vector<32xbf16>
          %parallel_loop3A_232 = tpu.unpack_subelements %parallel_loop3A_231, 0 {pack_format = #tpu.pack_format<interleaved>} : vector<32xbf16> -> vector<16xf32>
          %parallel_loop3A_233 = tpu.unpack_subelements %parallel_loop3A_231, 1 {pack_format = #tpu.pack_format<interleaved>} : vector<32xbf16> -> vector<16xf32>
          %parallel_loop3A_234 = arith.addf %scan3A_128, %parallel_loop3A_232 : vector<16xf32>
          %parallel_loop3A_235 = arith.addf %scan3A_129, %parallel_loop3A_233 : vector<16xf32>
          %parallel_loop3A_236 = arith.constant 0.000000e+00 : bf16
          %parallel_loop3A_237 = vector.broadcast %parallel_loop3A_236 : bf16 to vector<32xbf16>
          %parallel_loop3A_238 = arith.constant 8 : i32
          %parallel_loop3A_239 = vector.broadcast %parallel_loop3A_238 : i32 to vector<16xi32>
          %parallel_loop3A_240 = arith.addi %parallel_loop3A_133, %parallel_loop3A_239 : vector<16xi32>
          %parallel_loop3A_241 = arith.constant 63 : i32
          %parallel_loop3A_242 = vector.broadcast %parallel_loop3A_241 : i32 to vector<16xi32>
          %parallel_loop3A_243 = arith.andi %parallel_loop3A_240, %parallel_loop3A_242 : vector<16xi32>
          %parallel_loop3A_244 = tpu.vector_load_idx %arg8[%parallel_loop3A_112, %parallel_loop3A_243] : memref<80x64xi32, #tpu.memory_space<vmem>>[vector<16xi32>, vector<16xi32>], vector<16xi32>,
          %parallel_loop3A_245 = vector.bitcast %parallel_loop3A_244 : vector<16xi32> to vector<32xbf16>
          %parallel_loop3A_246 = tpu.vector_load_idx %arg9[%parallel_loop3A_112, %parallel_loop3A_243] : memref<80x64xi32, #tpu.memory_space<vmem>>[vector<16xi32>, vector<16xi32>], vector<16xi32>,
          %parallel_loop3A_247 = vector.bitcast %parallel_loop3A_246 : vector<16xi32> to vector<32xbf16>
          %parallel_loop3A_248 = arith.mulf %parallel_loop3A_245, %parallel_loop3A_247 : vector<32xbf16>
          %parallel_loop3A_249 = arith.addf %parallel_loop3A_237, %parallel_loop3A_248 : vector<32xbf16>
          %parallel_loop3A_250 = arith.constant 9 : i32
          %parallel_loop3A_251 = vector.broadcast %parallel_loop3A_250 : i32 to vector<16xi32>
          %parallel_loop3A_252 = arith.addi %parallel_loop3A_133, %parallel_loop3A_251 : vector<16xi32>
          %parallel_loop3A_253 = arith.constant 63 : i32
          %parallel_loop3A_254 = vector.broadcast %parallel_loop3A_253 : i32 to vector<16xi32>
          %parallel_loop3A_255 = arith.andi %parallel_loop3A_252, %parallel_loop3A_254 : vector<16xi32>
          %parallel_loop3A_256 = tpu.vector_load_idx %arg8[%parallel_loop3A_112, %parallel_loop3A_255] : memref<80x64xi32, #tpu.memory_space<vmem>>[vector<16xi32>, vector<16xi32>], vector<16xi32>,
          %parallel_loop3A_257 = vector.bitcast %parallel_loop3A_256 : vector<16xi32> to vector<32xbf16>
          %parallel_loop3A_258 = tpu.vector_load_idx %arg9[%parallel_loop3A_112, %parallel_loop3A_255] : memref<80x64xi32, #tpu.memory_space<vmem>>[vector<16xi32>, vector<16xi32>], vector<16xi32>,
          %parallel_loop3A_259 = vector.bitcast %parallel_loop3A_258 : vector<16xi32> to vector<32xbf16>
          %parallel_loop3A_260 = arith.mulf %parallel_loop3A_257, %parallel_loop3A_259 : vector<32xbf16>
          %parallel_loop3A_261 = arith.addf %parallel_loop3A_249, %parallel_loop3A_260 : vector<32xbf16>
          %parallel_loop3A_262 = arith.constant 10 : i32
          %parallel_loop3A_263 = vector.broadcast %parallel_loop3A_262 : i32 to vector<16xi32>
          %parallel_loop3A_264 = arith.addi %parallel_loop3A_133, %parallel_loop3A_263 : vector<16xi32>
          %parallel_loop3A_265 = arith.constant 63 : i32
          %parallel_loop3A_266 = vector.broadcast %parallel_loop3A_265 : i32 to vector<16xi32>
          %parallel_loop3A_267 = arith.andi %parallel_loop3A_264, %parallel_loop3A_266 : vector<16xi32>
          %parallel_loop3A_268 = tpu.vector_load_idx %arg8[%parallel_loop3A_112, %parallel_loop3A_267] : memref<80x64xi32, #tpu.memory_space<vmem>>[vector<16xi32>, vector<16xi32>], vector<16xi32>,
          %parallel_loop3A_269 = vector.bitcast %parallel_loop3A_268 : vector<16xi32> to vector<32xbf16>
          %parallel_loop3A_270 = tpu.vector_load_idx %arg9[%parallel_loop3A_112, %parallel_loop3A_267] : memref<80x64xi32, #tpu.memory_space<vmem>>[vector<16xi32>, vector<16xi32>], vector<16xi32>,
          %parallel_loop3A_271 = vector.bitcast %parallel_loop3A_270 : vector<16xi32> to vector<32xbf16>
          %parallel_loop3A_272 = arith.mulf %parallel_loop3A_269, %parallel_loop3A_271 : vector<32xbf16>
          %parallel_loop3A_273 = arith.addf %parallel_loop3A_261, %parallel_loop3A_272 : vector<32xbf16>
          %parallel_loop3A_274 = arith.constant 11 : i32
          %parallel_loop3A_275 = vector.broadcast %parallel_loop3A_274 : i32 to vector<16xi32>
          %parallel_loop3A_276 = arith.addi %parallel_loop3A_133, %parallel_loop3A_275 : vector<16xi32>
          %parallel_loop3A_277 = arith.constant 63 : i32
          %parallel_loop3A_278 = vector.broadcast %parallel_loop3A_277 : i32 to vector<16xi32>
          %parallel_loop3A_279 = arith.andi %parallel_loop3A_276, %parallel_loop3A_278 : vector<16xi32>
          %parallel_loop3A_280 = tpu.vector_load_idx %arg8[%parallel_loop3A_112, %parallel_loop3A_279] : memref<80x64xi32, #tpu.memory_space<vmem>>[vector<16xi32>, vector<16xi32>], vector<16xi32>,
          %parallel_loop3A_281 = vector.bitcast %parallel_loop3A_280 : vector<16xi32> to vector<32xbf16>
          %parallel_loop3A_282 = tpu.vector_load_idx %arg9[%parallel_loop3A_112, %parallel_loop3A_279] : memref<80x64xi32, #tpu.memory_space<vmem>>[vector<16xi32>, vector<16xi32>], vector<16xi32>,
          %parallel_loop3A_283 = vector.bitcast %parallel_loop3A_282 : vector<16xi32> to vector<32xbf16>
          %parallel_loop3A_284 = arith.mulf %parallel_loop3A_281, %parallel_loop3A_283 : vector<32xbf16>
          %parallel_loop3A_285 = arith.addf %parallel_loop3A_273, %parallel_loop3A_284 : vector<32xbf16>
          %parallel_loop3A_286 = arith.constant 12 : i32
          %parallel_loop3A_287 = vector.broadcast %parallel_loop3A_286 : i32 to vector<16xi32>
          %parallel_loop3A_288 = arith.addi %parallel_loop3A_133, %parallel_loop3A_287 : vector<16xi32>
          %parallel_loop3A_289 = arith.constant 63 : i32
          %parallel_loop3A_290 = vector.broadcast %parallel_loop3A_289 : i32 to vector<16xi32>
          %parallel_loop3A_291 = arith.andi %parallel_loop3A_288, %parallel_loop3A_290 : vector<16xi32>
          %parallel_loop3A_292 = tpu.vector_load_idx %arg8[%parallel_loop3A_112, %parallel_loop3A_291] : memref<80x64xi32, #tpu.memory_space<vmem>>[vector<16xi32>, vector<16xi32>], vector<16xi32>,
          %parallel_loop3A_293 = vector.bitcast %parallel_loop3A_292 : vector<16xi32> to vector<32xbf16>
          %parallel_loop3A_294 = tpu.vector_load_idx %arg9[%parallel_loop3A_112, %parallel_loop3A_291] : memref<80x64xi32, #tpu.memory_space<vmem>>[vector<16xi32>, vector<16xi32>], vector<16xi32>,
          %parallel_loop3A_295 = vector.bitcast %parallel_loop3A_294 : vector<16xi32> to vector<32xbf16>
          %parallel_loop3A_296 = arith.mulf %parallel_loop3A_293, %parallel_loop3A_295 : vector<32xbf16>
          %parallel_loop3A_297 = arith.addf %parallel_loop3A_285, %parallel_loop3A_296 : vector<32xbf16>
          %parallel_loop3A_298 = arith.constant 13 : i32
          %parallel_loop3A_299 = vector.broadcast %parallel_loop3A_298 : i32 to vector<16xi32>
          %parallel_loop3A_300 = arith.addi %parallel_loop3A_133, %parallel_loop3A_299 : vector<16xi32>
          %parallel_loop3A_301 = arith.constant 63 : i32
          %parallel_loop3A_302 = vector.broadcast %parallel_loop3A_301 : i32 to vector<16xi32>
          %parallel_loop3A_303 = arith.andi %parallel_loop3A_300, %parallel_loop3A_302 : vector<16xi32>
          %parallel_loop3A_304 = tpu.vector_load_idx %arg8[%parallel_loop3A_112, %parallel_loop3A_303] : memref<80x64xi32, #tpu.memory_space<vmem>>[vector<16xi32>, vector<16xi32>], vector<16xi32>,
          %parallel_loop3A_305 = vector.bitcast %parallel_loop3A_304 : vector<16xi32> to vector<32xbf16>
          %parallel_loop3A_306 = tpu.vector_load_idx %arg9[%parallel_loop3A_112, %parallel_loop3A_303] : memref<80x64xi32, #tpu.memory_space<vmem>>[vector<16xi32>, vector<16xi32>], vector<16xi32>,
          %parallel_loop3A_307 = vector.bitcast %parallel_loop3A_306 : vector<16xi32> to vector<32xbf16>
          %parallel_loop3A_308 = arith.mulf %parallel_loop3A_305, %parallel_loop3A_307 : vector<32xbf16>
          %parallel_loop3A_309 = arith.addf %parallel_loop3A_297, %parallel_loop3A_308 : vector<32xbf16>
          %parallel_loop3A_310 = arith.constant 14 : i32
          %parallel_loop3A_311 = vector.broadcast %parallel_loop3A_310 : i32 to vector<16xi32>
          %parallel_loop3A_312 = arith.addi %parallel_loop3A_133, %parallel_loop3A_311 : vector<16xi32>
          %parallel_loop3A_313 = arith.constant 63 : i32
          %parallel_loop3A_314 = vector.broadcast %parallel_loop3A_313 : i32 to vector<16xi32>
          %parallel_loop3A_315 = arith.andi %parallel_loop3A_312, %parallel_loop3A_314 : vector<16xi32>
          %parallel_loop3A_316 = tpu.vector_load_idx %arg8[%parallel_loop3A_112, %parallel_loop3A_315] : memref<80x64xi32, #tpu.memory_space<vmem>>[vector<16xi32>, vector<16xi32>], vector<16xi32>,
          %parallel_loop3A_317 = vector.bitcast %parallel_loop3A_316 : vector<16xi32> to vector<32xbf16>
          %parallel_loop3A_318 = tpu.vector_load_idx %arg9[%parallel_loop3A_112, %parallel_loop3A_315] : memref<80x64xi32, #tpu.memory_space<vmem>>[vector<16xi32>, vector<16xi32>], vector<16xi32>,
          %parallel_loop3A_319 = vector.bitcast %parallel_loop3A_318 : vector<16xi32> to vector<32xbf16>
          %parallel_loop3A_320 = arith.mulf %parallel_loop3A_317, %parallel_loop3A_319 : vector<32xbf16>
          %parallel_loop3A_321 = arith.addf %parallel_loop3A_309, %parallel_loop3A_320 : vector<32xbf16>
          %parallel_loop3A_322 = arith.constant 15 : i32
          %parallel_loop3A_323 = vector.broadcast %parallel_loop3A_322 : i32 to vector<16xi32>
          %parallel_loop3A_324 = arith.addi %parallel_loop3A_133, %parallel_loop3A_323 : vector<16xi32>
          %parallel_loop3A_325 = arith.constant 63 : i32
          %parallel_loop3A_326 = vector.broadcast %parallel_loop3A_325 : i32 to vector<16xi32>
          %parallel_loop3A_327 = arith.andi %parallel_loop3A_324, %parallel_loop3A_326 : vector<16xi32>
          %parallel_loop3A_328 = tpu.vector_load_idx %arg8[%parallel_loop3A_112, %parallel_loop3A_327] : memref<80x64xi32, #tpu.memory_space<vmem>>[vector<16xi32>, vector<16xi32>], vector<16xi32>,
          %parallel_loop3A_329 = vector.bitcast %parallel_loop3A_328 : vector<16xi32> to vector<32xbf16>
          %parallel_loop3A_330 = tpu.vector_load_idx %arg9[%parallel_loop3A_112, %parallel_loop3A_327] : memref<80x64xi32, #tpu.memory_space<vmem>>[vector<16xi32>, vector<16xi32>], vector<16xi32>,
          %parallel_loop3A_331 = vector.bitcast %parallel_loop3A_330 : vector<16xi32> to vector<32xbf16>
          %parallel_loop3A_332 = arith.mulf %parallel_loop3A_329, %parallel_loop3A_331 : vector<32xbf16>
          %parallel_loop3A_333 = arith.addf %parallel_loop3A_321, %parallel_loop3A_332 : vector<32xbf16>
          %parallel_loop3A_334 = tpu.unpack_subelements %parallel_loop3A_333, 0 {pack_format = #tpu.pack_format<interleaved>} : vector<32xbf16> -> vector<16xf32>
          %parallel_loop3A_335 = tpu.unpack_subelements %parallel_loop3A_333, 1 {pack_format = #tpu.pack_format<interleaved>} : vector<32xbf16> -> vector<16xf32>
          %parallel_loop3A_336 = arith.addf %parallel_loop3A_234, %parallel_loop3A_334 : vector<16xf32>
          %parallel_loop3A_337 = arith.addf %parallel_loop3A_235, %parallel_loop3A_335 : vector<16xf32>
          scf.yield %parallel_loop3A_336, %parallel_loop3A_337 : vector<16xf32>, vector<16xf32>
        }
        %parallel_loop3A_120 = arith.constant 4 : i32
        %parallel_loop3A_121 = arith.addf %parallel_loop3A_119#0, %parallel_loop3A_119#1 : vector<16xf32>
        %parallel_loop3A_122 = arith.constant 16 : i32
        %parallel_loop3A_123 = arith.muli %parallel_loop3A_108, %parallel_loop3A_122 : i32
        %parallel_loop3A_124 = arith.addi %mul3A_62, %parallel_loop3A_123 : i32
        %parallel_loop3A_125 = arith.index_cast %parallel_loop3A_124 : i32 to index
        %parallel_loop3A_126 = tpu.vector_load %arg7[%parallel_loop3A_125] {strides = array<i32>} : memref<10000xf32, #tpu.memory_space<vmem>>, vector<16xf32>,
        tpu.vector_store %arg7[%parallel_loop3A_125], %parallel_loop3A_121 {strides = array<i32>} : memref<10000xf32, #tpu.memory_space<vmem>>, vector<16xf32>,
      } {sc.loop_unroll_factor = 1 : i64, sc.parallel_access}
      %add3A_66 = arith.constant 2 : i32
      %add3A_67 = arith.addi %mul3A_50, %add3A_66 : i32
      %mul3A_68 = arith.constant 80 : i32
      %mul3A_69 = arith.muli %add3A_67, %mul3A_68 : i32
      %dma_start3A_70 = tpu.memref_slice %arg5[%mul3A_69] : memref<10000xi32, #tpu.memory_space<vmem>> -> memref<80xi32, #tpu.memory_space<vmem>>
      %dma_start3A_71 = arith.constant 0 : i32
      %dma_start3A_72 = arith.constant 0 : i32
      %dma_start3A_73 = tpu.memref_slice %arg2[%dma_start3A_71, %dma_start3A_72] : memref<10000x64xi32, #tpu.memory_space<hbm>> -> memref<10000x64xi32, #tpu.memory_space<hbm>>
      tpu.enqueue_indirect_dma source(%dma_start3A_73 : memref<10000x64xi32, #tpu.memory_space<hbm>>) target(%arg8 : memref<80x64xi32, #tpu.memory_space<vmem>>) offsets(%dma_start3A_70 : memref<80xi32, #tpu.memory_space<vmem>>) semaphore(%arg12 : memref<!tpu.dma_semaphore, #tpu.memory_space<semaphore_mem>>)
      %dma_start3A_74 = tpu.memref_slice %arg6[%mul3A_69] : memref<10000xi32, #tpu.memory_space<vmem>> -> memref<80xi32, #tpu.memory_space<vmem>>
      %dma_start3A_75 = arith.constant 0 : i32
      %dma_start3A_76 = arith.constant 0 : i32
      %dma_start3A_77 = tpu.memref_slice %arg2[%dma_start3A_75, %dma_start3A_76] : memref<10000x64xi32, #tpu.memory_space<hbm>> -> memref<10000x64xi32, #tpu.memory_space<hbm>>
      tpu.enqueue_indirect_dma source(%dma_start3A_77 : memref<10000x64xi32, #tpu.memory_space<hbm>>) target(%arg9 : memref<80x64xi32, #tpu.memory_space<vmem>>) offsets(%dma_start3A_74 : memref<80xi32, #tpu.memory_space<vmem>>) semaphore(%arg12 : memref<!tpu.dma_semaphore, #tpu.memory_space<semaphore_mem>>)
      %dma_wait3A_78 = arith.constant 0 : i32
      %dma_wait3A_79 = tpu.memref_slice %arg5[%dma_wait3A_78] : memref<10000xi32, #tpu.memory_space<vmem>> -> memref<80xi32, #tpu.memory_space<vmem>>
      %dma_wait3A_80 = arith.constant 0 : i32
      %dma_wait3A_81 = arith.constant 0 : i32
      %dma_wait3A_82 = tpu.memref_slice %arg2[%dma_wait3A_80, %dma_wait3A_81] : memref<10000x64xi32, #tpu.memory_space<hbm>> -> memref<10000x64xi32, #tpu.memory_space<hbm>>
      tpu.wait_indirect_dma semaphore(%arg13 : memref<!tpu.dma_semaphore, #tpu.memory_space<semaphore_mem>>) src(%dma_wait3A_82 : memref<10000x64xi32, #tpu.memory_space<hbm>>) dst(%arg10 : memref<80x64xi32, #tpu.memory_space<vmem>>)
      %dma_wait3A_83 = arith.constant 0 : i32
      %dma_wait3A_84 = tpu.memref_slice %arg6[%dma_wait3A_83] : memref<10000xi32, #tpu.memory_space<vmem>> -> memref<80xi32, #tpu.memory_space<vmem>>
      %dma_wait3A_85 = arith.constant 0 : i32
      %dma_wait3A_86 = arith.constant 0 : i32
      %dma_wait3A_87 = tpu.memref_slice %arg2[%dma_wait3A_85, %dma_wait3A_86] : memref<10000x64xi32, #tpu.memory_space<hbm>> -> memref<10000x64xi32, #tpu.memory_space<hbm>>
      tpu.wait_indirect_dma semaphore(%arg13 : memref<!tpu.dma_semaphore, #tpu.memory_space<semaphore_mem>>) src(%dma_wait3A_87 : memref<10000x64xi32, #tpu.memory_space<hbm>>) dst(%arg11 : memref<80x64xi32, #tpu.memory_space<vmem>>)
      %add3A_88 = arith.constant 1 : i32
      %add3A_89 = arith.addi %mul3A_50, %add3A_88 : i32
      %mul3A_90 = arith.constant 80 : i32
      %mul3A_91 = arith.muli %add3A_89, %mul3A_90 : i32
      %parallel_loop3A_92 = arith.constant 0 : i32
      %parallel_loop3A_93 = arith.constant 5 : i32
      %parallel_loop3A_94 = arith.constant 1 : i32
      scf.for %parallel_loop3A_108 = %parallel_loop3A_92 to %parallel_loop3A_93 step %parallel_loop3A_94  : i32 {
        %parallel_loop3A_109 = arith.constant 16 : i32
        %parallel_loop3A_110 = arith.muli %parallel_loop3A_108, %parallel_loop3A_109 : i32
        %parallel_loop3A_111 = vector.broadcast %parallel_loop3A_110 : i32 to vector<16xi32>
        %parallel_loop3A_112 = arith.addi %parallel_loop3A_111, %iota3A : vector<16xi32>
        %parallel_loop3A_113 = arith.constant 0.000000e+00 : f32
        %parallel_loop3A_114 = vector.broadcast %parallel_loop3A_113 : f32 to vector<16xf32>
        %parallel_loop3A_115 = arith.constant 0 : i32
        %parallel_loop3A_116 = arith.constant 4 : i32
        %parallel_loop3A_117 = arith.addi %parallel_loop3A_115, %parallel_loop3A_116 : i32
        %parallel_loop3A_118 = arith.constant 1 : i32
        %parallel_loop3A_119:2 = scf.for %scan3A_127 = %parallel_loop3A_115 to %parallel_loop3A_117 step %parallel_loop3A_118 iter_args(%scan3A_128 = %parallel_loop3A_114, %scan3A_129 = %parallel_loop3A_114) -> (vector<16xf32>, vector<16xf32>)  : i32 {
          %parallel_loop3A_130 = arith.constant 16 : i32
          %parallel_loop3A_131 = arith.muli %scan3A_127, %parallel_loop3A_130 : i32
          %parallel_loop3A_132 = vector.broadcast %parallel_loop3A_131 : i32 to vector<16xi32>
          %parallel_loop3A_133 = arith.addi %iota3A, %parallel_loop3A_132 : vector<16xi32>
          %parallel_loop3A_134 = arith.constant 0.000000e+00 : bf16
          %parallel_loop3A_135 = vector.broadcast %parallel_loop3A_134 : bf16 to vector<32xbf16>
          %parallel_loop3A_136 = arith.constant 0 : i32
          %parallel_loop3A_137 = vector.broadcast %parallel_loop3A_136 : i32 to vector<16xi32>
          %parallel_loop3A_138 = arith.addi %parallel_loop3A_133, %parallel_loop3A_137 : vector<16xi32>
          %parallel_loop3A_139 = arith.constant 63 : i32
          %parallel_loop3A_140 = vector.broadcast %parallel_loop3A_139 : i32 to vector<16xi32>
          %parallel_loop3A_141 = arith.andi %parallel_loop3A_138, %parallel_loop3A_140 : vector<16xi32>
          %parallel_loop3A_142 = tpu.vector_load_idx %arg10[%parallel_loop3A_112, %parallel_loop3A_141] : memref<80x64xi32, #tpu.memory_space<vmem>>[vector<16xi32>, vector<16xi32>], vector<16xi32>,
          %parallel_loop3A_143 = vector.bitcast %parallel_loop3A_142 : vector<16xi32> to vector<32xbf16>
          %parallel_loop3A_144 = tpu.vector_load_idx %arg11[%parallel_loop3A_112, %parallel_loop3A_141] : memref<80x64xi32, #tpu.memory_space<vmem>>[vector<16xi32>, vector<16xi32>], vector<16xi32>,
          %parallel_loop3A_145 = vector.bitcast %parallel_loop3A_144 : vector<16xi32> to vector<32xbf16>
          %parallel_loop3A_146 = arith.mulf %parallel_loop3A_143, %parallel_loop3A_145 : vector<32xbf16>
          %parallel_loop3A_147 = arith.addf %parallel_loop3A_135, %parallel_loop3A_146 : vector<32xbf16>
          %parallel_loop3A_148 = arith.constant 1 : i32
          %parallel_loop3A_149 = vector.broadcast %parallel_loop3A_148 : i32 to vector<16xi32>
          %parallel_loop3A_150 = arith.addi %parallel_loop3A_133, %parallel_loop3A_149 : vector<16xi32>
          %parallel_loop3A_151 = arith.constant 63 : i32
          %parallel_loop3A_152 = vector.broadcast %parallel_loop3A_151 : i32 to vector<16xi32>
          %parallel_loop3A_153 = arith.andi %parallel_loop3A_150, %parallel_loop3A_152 : vector<16xi32>
          %parallel_loop3A_154 = tpu.vector_load_idx %arg10[%parallel_loop3A_112, %parallel_loop3A_153] : memref<80x64xi32, #tpu.memory_space<vmem>>[vector<16xi32>, vector<16xi32>], vector<16xi32>,
          %parallel_loop3A_155 = vector.bitcast %parallel_loop3A_154 : vector<16xi32> to vector<32xbf16>
          %parallel_loop3A_156 = tpu.vector_load_idx %arg11[%parallel_loop3A_112, %parallel_loop3A_153] : memref<80x64xi32, #tpu.memory_space<vmem>>[vector<16xi32>, vector<16xi32>], vector<16xi32>,
          %parallel_loop3A_157 = vector.bitcast %parallel_loop3A_156 : vector<16xi32> to vector<32xbf16>
          %parallel_loop3A_158 = arith.mulf %parallel_loop3A_155, %parallel_loop3A_157 : vector<32xbf16>
          %parallel_loop3A_159 = arith.addf %parallel_loop3A_147, %parallel_loop3A_158 : vector<32xbf16>
          %parallel_loop3A_160 = arith.constant 2 : i32
          %parallel_loop3A_161 = vector.broadcast %parallel_loop3A_160 : i32 to vector<16xi32>
          %parallel_loop3A_162 = arith.addi %parallel_loop3A_133, %parallel_loop3A_161 : vector<16xi32>
          %parallel_loop3A_163 = arith.constant 63 : i32
          %parallel_loop3A_164 = vector.broadcast %parallel_loop3A_163 : i32 to vector<16xi32>
          %parallel_loop3A_165 = arith.andi %parallel_loop3A_162, %parallel_loop3A_164 : vector<16xi32>
          %parallel_loop3A_166 = tpu.vector_load_idx %arg10[%parallel_loop3A_112, %parallel_loop3A_165] : memref<80x64xi32, #tpu.memory_space<vmem>>[vector<16xi32>, vector<16xi32>], vector<16xi32>,
          %parallel_loop3A_167 = vector.bitcast %parallel_loop3A_166 : vector<16xi32> to vector<32xbf16>
          %parallel_loop3A_168 = tpu.vector_load_idx %arg11[%parallel_loop3A_112, %parallel_loop3A_165] : memref<80x64xi32, #tpu.memory_space<vmem>>[vector<16xi32>, vector<16xi32>], vector<16xi32>,
          %parallel_loop3A_169 = vector.bitcast %parallel_loop3A_168 : vector<16xi32> to vector<32xbf16>
          %parallel_loop3A_170 = arith.mulf %parallel_loop3A_167, %parallel_loop3A_169 : vector<32xbf16>
          %parallel_loop3A_171 = arith.addf %parallel_loop3A_159, %parallel_loop3A_170 : vector<32xbf16>
          %parallel_loop3A_172 = arith.constant 3 : i32
          %parallel_loop3A_173 = vector.broadcast %parallel_loop3A_172 : i32 to vector<16xi32>
          %parallel_loop3A_174 = arith.addi %parallel_loop3A_133, %parallel_loop3A_173 : vector<16xi32>
          %parallel_loop3A_175 = arith.constant 63 : i32
          %parallel_loop3A_176 = vector.broadcast %parallel_loop3A_175 : i32 to vector<16xi32>
          %parallel_loop3A_177 = arith.andi %parallel_loop3A_174, %parallel_loop3A_176 : vector<16xi32>
          %parallel_loop3A_178 = tpu.vector_load_idx %arg10[%parallel_loop3A_112, %parallel_loop3A_177] : memref<80x64xi32, #tpu.memory_space<vmem>>[vector<16xi32>, vector<16xi32>], vector<16xi32>,
          %parallel_loop3A_179 = vector.bitcast %parallel_loop3A_178 : vector<16xi32> to vector<32xbf16>
          %parallel_loop3A_180 = tpu.vector_load_idx %arg11[%parallel_loop3A_112, %parallel_loop3A_177] : memref<80x64xi32, #tpu.memory_space<vmem>>[vector<16xi32>, vector<16xi32>], vector<16xi32>,
          %parallel_loop3A_181 = vector.bitcast %parallel_loop3A_180 : vector<16xi32> to vector<32xbf16>
          %parallel_loop3A_182 = arith.mulf %parallel_loop3A_179, %parallel_loop3A_181 : vector<32xbf16>
          %parallel_loop3A_183 = arith.addf %parallel_loop3A_171, %parallel_loop3A_182 : vector<32xbf16>
          %parallel_loop3A_184 = arith.constant 4 : i32
          %parallel_loop3A_185 = vector.broadcast %parallel_loop3A_184 : i32 to vector<16xi32>
          %parallel_loop3A_186 = arith.addi %parallel_loop3A_133, %parallel_loop3A_185 : vector<16xi32>
          %parallel_loop3A_187 = arith.constant 63 : i32
          %parallel_loop3A_188 = vector.broadcast %parallel_loop3A_187 : i32 to vector<16xi32>
          %parallel_loop3A_189 = arith.andi %parallel_loop3A_186, %parallel_loop3A_188 : vector<16xi32>
          %parallel_loop3A_190 = tpu.vector_load_idx %arg10[%parallel_loop3A_112, %parallel_loop3A_189] : memref<80x64xi32, #tpu.memory_space<vmem>>[vector<16xi32>, vector<16xi32>], vector<16xi32>,
          %parallel_loop3A_191 = vector.bitcast %parallel_loop3A_190 : vector<16xi32> to vector<32xbf16>
          %parallel_loop3A_192 = tpu.vector_load_idx %arg11[%parallel_loop3A_112, %parallel_loop3A_189] : memref<80x64xi32, #tpu.memory_space<vmem>>[vector<16xi32>, vector<16xi32>], vector<16xi32>,
          %parallel_loop3A_193 = vector.bitcast %parallel_loop3A_192 : vector<16xi32> to vector<32xbf16>
          %parallel_loop3A_194 = arith.mulf %parallel_loop3A_191, %parallel_loop3A_193 : vector<32xbf16>
          %parallel_loop3A_195 = arith.addf %parallel_loop3A_183, %parallel_loop3A_194 : vector<32xbf16>
          %parallel_loop3A_196 = arith.constant 5 : i32
          %parallel_loop3A_197 = vector.broadcast %parallel_loop3A_196 : i32 to vector<16xi32>
          %parallel_loop3A_198 = arith.addi %parallel_loop3A_133, %parallel_loop3A_197 : vector<16xi32>
          %parallel_loop3A_199 = arith.constant 63 : i32
          %parallel_loop3A_200 = vector.broadcast %parallel_loop3A_199 : i32 to vector<16xi32>
          %parallel_loop3A_201 = arith.andi %parallel_loop3A_198, %parallel_loop3A_200 : vector<16xi32>
          %parallel_loop3A_202 = tpu.vector_load_idx %arg10[%parallel_loop3A_112, %parallel_loop3A_201] : memref<80x64xi32, #tpu.memory_space<vmem>>[vector<16xi32>, vector<16xi32>], vector<16xi32>,
          %parallel_loop3A_203 = vector.bitcast %parallel_loop3A_202 : vector<16xi32> to vector<32xbf16>
          %parallel_loop3A_204 = tpu.vector_load_idx %arg11[%parallel_loop3A_112, %parallel_loop3A_201] : memref<80x64xi32, #tpu.memory_space<vmem>>[vector<16xi32>, vector<16xi32>], vector<16xi32>,
          %parallel_loop3A_205 = vector.bitcast %parallel_loop3A_204 : vector<16xi32> to vector<32xbf16>
          %parallel_loop3A_206 = arith.mulf %parallel_loop3A_203, %parallel_loop3A_205 : vector<32xbf16>
          %parallel_loop3A_207 = arith.addf %parallel_loop3A_195, %parallel_loop3A_206 : vector<32xbf16>
          %parallel_loop3A_208 = arith.constant 6 : i32
          %parallel_loop3A_209 = vector.broadcast %parallel_loop3A_208 : i32 to vector<16xi32>
          %parallel_loop3A_210 = arith.addi %parallel_loop3A_133, %parallel_loop3A_209 : vector<16xi32>
          %parallel_loop3A_211 = arith.constant 63 : i32
          %parallel_loop3A_212 = vector.broadcast %parallel_loop3A_211 : i32 to vector<16xi32>
          %parallel_loop3A_213 = arith.andi %parallel_loop3A_210, %parallel_loop3A_212 : vector<16xi32>
          %parallel_loop3A_214 = tpu.vector_load_idx %arg10[%parallel_loop3A_112, %parallel_loop3A_213] : memref<80x64xi32, #tpu.memory_space<vmem>>[vector<16xi32>, vector<16xi32>], vector<16xi32>,
          %parallel_loop3A_215 = vector.bitcast %parallel_loop3A_214 : vector<16xi32> to vector<32xbf16>
          %parallel_loop3A_216 = tpu.vector_load_idx %arg11[%parallel_loop3A_112, %parallel_loop3A_213] : memref<80x64xi32, #tpu.memory_space<vmem>>[vector<16xi32>, vector<16xi32>], vector<16xi32>,
          %parallel_loop3A_217 = vector.bitcast %parallel_loop3A_216 : vector<16xi32> to vector<32xbf16>
          %parallel_loop3A_218 = arith.mulf %parallel_loop3A_215, %parallel_loop3A_217 : vector<32xbf16>
          %parallel_loop3A_219 = arith.addf %parallel_loop3A_207, %parallel_loop3A_218 : vector<32xbf16>
          %parallel_loop3A_220 = arith.constant 7 : i32
          %parallel_loop3A_221 = vector.broadcast %parallel_loop3A_220 : i32 to vector<16xi32>
          %parallel_loop3A_222 = arith.addi %parallel_loop3A_133, %parallel_loop3A_221 : vector<16xi32>
          %parallel_loop3A_223 = arith.constant 63 : i32
          %parallel_loop3A_224 = vector.broadcast %parallel_loop3A_223 : i32 to vector<16xi32>
          %parallel_loop3A_225 = arith.andi %parallel_loop3A_222, %parallel_loop3A_224 : vector<16xi32>
          %parallel_loop3A_226 = tpu.vector_load_idx %arg10[%parallel_loop3A_112, %parallel_loop3A_225] : memref<80x64xi32, #tpu.memory_space<vmem>>[vector<16xi32>, vector<16xi32>], vector<16xi32>,
          %parallel_loop3A_227 = vector.bitcast %parallel_loop3A_226 : vector<16xi32> to vector<32xbf16>
          %parallel_loop3A_228 = tpu.vector_load_idx %arg11[%parallel_loop3A_112, %parallel_loop3A_225] : memref<80x64xi32, #tpu.memory_space<vmem>>[vector<16xi32>, vector<16xi32>], vector<16xi32>,
          %parallel_loop3A_229 = vector.bitcast %parallel_loop3A_228 : vector<16xi32> to vector<32xbf16>
          %parallel_loop3A_230 = arith.mulf %parallel_loop3A_227, %parallel_loop3A_229 : vector<32xbf16>
          %parallel_loop3A_231 = arith.addf %parallel_loop3A_219, %parallel_loop3A_230 : vector<32xbf16>
          %parallel_loop3A_232 = tpu.unpack_subelements %parallel_loop3A_231, 0 {pack_format = #tpu.pack_format<interleaved>} : vector<32xbf16> -> vector<16xf32>
          %parallel_loop3A_233 = tpu.unpack_subelements %parallel_loop3A_231, 1 {pack_format = #tpu.pack_format<interleaved>} : vector<32xbf16> -> vector<16xf32>
          %parallel_loop3A_234 = arith.addf %scan3A_128, %parallel_loop3A_232 : vector<16xf32>
          %parallel_loop3A_235 = arith.addf %scan3A_129, %parallel_loop3A_233 : vector<16xf32>
          %parallel_loop3A_236 = arith.constant 0.000000e+00 : bf16
          %parallel_loop3A_237 = vector.broadcast %parallel_loop3A_236 : bf16 to vector<32xbf16>
          %parallel_loop3A_238 = arith.constant 8 : i32
          %parallel_loop3A_239 = vector.broadcast %parallel_loop3A_238 : i32 to vector<16xi32>
          %parallel_loop3A_240 = arith.addi %parallel_loop3A_133, %parallel_loop3A_239 : vector<16xi32>
          %parallel_loop3A_241 = arith.constant 63 : i32
          %parallel_loop3A_242 = vector.broadcast %parallel_loop3A_241 : i32 to vector<16xi32>
          %parallel_loop3A_243 = arith.andi %parallel_loop3A_240, %parallel_loop3A_242 : vector<16xi32>
          %parallel_loop3A_244 = tpu.vector_load_idx %arg10[%parallel_loop3A_112, %parallel_loop3A_243] : memref<80x64xi32, #tpu.memory_space<vmem>>[vector<16xi32>, vector<16xi32>], vector<16xi32>,
          %parallel_loop3A_245 = vector.bitcast %parallel_loop3A_244 : vector<16xi32> to vector<32xbf16>
          %parallel_loop3A_246 = tpu.vector_load_idx %arg11[%parallel_loop3A_112, %parallel_loop3A_243] : memref<80x64xi32, #tpu.memory_space<vmem>>[vector<16xi32>, vector<16xi32>], vector<16xi32>,
          %parallel_loop3A_247 = vector.bitcast %parallel_loop3A_246 : vector<16xi32> to vector<32xbf16>
          %parallel_loop3A_248 = arith.mulf %parallel_loop3A_245, %parallel_loop3A_247 : vector<32xbf16>
          %parallel_loop3A_249 = arith.addf %parallel_loop3A_237, %parallel_loop3A_248 : vector<32xbf16>
          %parallel_loop3A_250 = arith.constant 9 : i32
          %parallel_loop3A_251 = vector.broadcast %parallel_loop3A_250 : i32 to vector<16xi32>
          %parallel_loop3A_252 = arith.addi %parallel_loop3A_133, %parallel_loop3A_251 : vector<16xi32>
          %parallel_loop3A_253 = arith.constant 63 : i32
          %parallel_loop3A_254 = vector.broadcast %parallel_loop3A_253 : i32 to vector<16xi32>
          %parallel_loop3A_255 = arith.andi %parallel_loop3A_252, %parallel_loop3A_254 : vector<16xi32>
          %parallel_loop3A_256 = tpu.vector_load_idx %arg10[%parallel_loop3A_112, %parallel_loop3A_255] : memref<80x64xi32, #tpu.memory_space<vmem>>[vector<16xi32>, vector<16xi32>], vector<16xi32>,
          %parallel_loop3A_257 = vector.bitcast %parallel_loop3A_256 : vector<16xi32> to vector<32xbf16>
          %parallel_loop3A_258 = tpu.vector_load_idx %arg11[%parallel_loop3A_112, %parallel_loop3A_255] : memref<80x64xi32, #tpu.memory_space<vmem>>[vector<16xi32>, vector<16xi32>], vector<16xi32>,
          %parallel_loop3A_259 = vector.bitcast %parallel_loop3A_258 : vector<16xi32> to vector<32xbf16>
          %parallel_loop3A_260 = arith.mulf %parallel_loop3A_257, %parallel_loop3A_259 : vector<32xbf16>
          %parallel_loop3A_261 = arith.addf %parallel_loop3A_249, %parallel_loop3A_260 : vector<32xbf16>
          %parallel_loop3A_262 = arith.constant 10 : i32
          %parallel_loop3A_263 = vector.broadcast %parallel_loop3A_262 : i32 to vector<16xi32>
          %parallel_loop3A_264 = arith.addi %parallel_loop3A_133, %parallel_loop3A_263 : vector<16xi32>
          %parallel_loop3A_265 = arith.constant 63 : i32
          %parallel_loop3A_266 = vector.broadcast %parallel_loop3A_265 : i32 to vector<16xi32>
          %parallel_loop3A_267 = arith.andi %parallel_loop3A_264, %parallel_loop3A_266 : vector<16xi32>
          %parallel_loop3A_268 = tpu.vector_load_idx %arg10[%parallel_loop3A_112, %parallel_loop3A_267] : memref<80x64xi32, #tpu.memory_space<vmem>>[vector<16xi32>, vector<16xi32>], vector<16xi32>,
          %parallel_loop3A_269 = vector.bitcast %parallel_loop3A_268 : vector<16xi32> to vector<32xbf16>
          %parallel_loop3A_270 = tpu.vector_load_idx %arg11[%parallel_loop3A_112, %parallel_loop3A_267] : memref<80x64xi32, #tpu.memory_space<vmem>>[vector<16xi32>, vector<16xi32>], vector<16xi32>,
          %parallel_loop3A_271 = vector.bitcast %parallel_loop3A_270 : vector<16xi32> to vector<32xbf16>
          %parallel_loop3A_272 = arith.mulf %parallel_loop3A_269, %parallel_loop3A_271 : vector<32xbf16>
          %parallel_loop3A_273 = arith.addf %parallel_loop3A_261, %parallel_loop3A_272 : vector<32xbf16>
          %parallel_loop3A_274 = arith.constant 11 : i32
          %parallel_loop3A_275 = vector.broadcast %parallel_loop3A_274 : i32 to vector<16xi32>
          %parallel_loop3A_276 = arith.addi %parallel_loop3A_133, %parallel_loop3A_275 : vector<16xi32>
          %parallel_loop3A_277 = arith.constant 63 : i32
          %parallel_loop3A_278 = vector.broadcast %parallel_loop3A_277 : i32 to vector<16xi32>
          %parallel_loop3A_279 = arith.andi %parallel_loop3A_276, %parallel_loop3A_278 : vector<16xi32>
          %parallel_loop3A_280 = tpu.vector_load_idx %arg10[%parallel_loop3A_112, %parallel_loop3A_279] : memref<80x64xi32, #tpu.memory_space<vmem>>[vector<16xi32>, vector<16xi32>], vector<16xi32>,
          %parallel_loop3A_281 = vector.bitcast %parallel_loop3A_280 : vector<16xi32> to vector<32xbf16>
          %parallel_loop3A_282 = tpu.vector_load_idx %arg11[%parallel_loop3A_112, %parallel_loop3A_279] : memref<80x64xi32, #tpu.memory_space<vmem>>[vector<16xi32>, vector<16xi32>], vector<16xi32>,
          %parallel_loop3A_283 = vector.bitcast %parallel_loop3A_282 : vector<16xi32> to vector<32xbf16>
          %parallel_loop3A_284 = arith.mulf %parallel_loop3A_281, %parallel_loop3A_283 : vector<32xbf16>
          %parallel_loop3A_285 = arith.addf %parallel_loop3A_273, %parallel_loop3A_284 : vector<32xbf16>
          %parallel_loop3A_286 = arith.constant 12 : i32
          %parallel_loop3A_287 = vector.broadcast %parallel_loop3A_286 : i32 to vector<16xi32>
          %parallel_loop3A_288 = arith.addi %parallel_loop3A_133, %parallel_loop3A_287 : vector<16xi32>
          %parallel_loop3A_289 = arith.constant 63 : i32
          %parallel_loop3A_290 = vector.broadcast %parallel_loop3A_289 : i32 to vector<16xi32>
          %parallel_loop3A_291 = arith.andi %parallel_loop3A_288, %parallel_loop3A_290 : vector<16xi32>
          %parallel_loop3A_292 = tpu.vector_load_idx %arg10[%parallel_loop3A_112, %parallel_loop3A_291] : memref<80x64xi32, #tpu.memory_space<vmem>>[vector<16xi32>, vector<16xi32>], vector<16xi32>,
          %parallel_loop3A_293 = vector.bitcast %parallel_loop3A_292 : vector<16xi32> to vector<32xbf16>
          %parallel_loop3A_294 = tpu.vector_load_idx %arg11[%parallel_loop3A_112, %parallel_loop3A_291] : memref<80x64xi32, #tpu.memory_space<vmem>>[vector<16xi32>, vector<16xi32>], vector<16xi32>,
          %parallel_loop3A_295 = vector.bitcast %parallel_loop3A_294 : vector<16xi32> to vector<32xbf16>
          %parallel_loop3A_296 = arith.mulf %parallel_loop3A_293, %parallel_loop3A_295 : vector<32xbf16>
          %parallel_loop3A_297 = arith.addf %parallel_loop3A_285, %parallel_loop3A_296 : vector<32xbf16>
          %parallel_loop3A_298 = arith.constant 13 : i32
          %parallel_loop3A_299 = vector.broadcast %parallel_loop3A_298 : i32 to vector<16xi32>
          %parallel_loop3A_300 = arith.addi %parallel_loop3A_133, %parallel_loop3A_299 : vector<16xi32>
          %parallel_loop3A_301 = arith.constant 63 : i32
          %parallel_loop3A_302 = vector.broadcast %parallel_loop3A_301 : i32 to vector<16xi32>
          %parallel_loop3A_303 = arith.andi %parallel_loop3A_300, %parallel_loop3A_302 : vector<16xi32>
          %parallel_loop3A_304 = tpu.vector_load_idx %arg10[%parallel_loop3A_112, %parallel_loop3A_303] : memref<80x64xi32, #tpu.memory_space<vmem>>[vector<16xi32>, vector<16xi32>], vector<16xi32>,
          %parallel_loop3A_305 = vector.bitcast %parallel_loop3A_304 : vector<16xi32> to vector<32xbf16>
          %parallel_loop3A_306 = tpu.vector_load_idx %arg11[%parallel_loop3A_112, %parallel_loop3A_303] : memref<80x64xi32, #tpu.memory_space<vmem>>[vector<16xi32>, vector<16xi32>], vector<16xi32>,
          %parallel_loop3A_307 = vector.bitcast %parallel_loop3A_306 : vector<16xi32> to vector<32xbf16>
          %parallel_loop3A_308 = arith.mulf %parallel_loop3A_305, %parallel_loop3A_307 : vector<32xbf16>
          %parallel_loop3A_309 = arith.addf %parallel_loop3A_297, %parallel_loop3A_308 : vector<32xbf16>
          %parallel_loop3A_310 = arith.constant 14 : i32
          %parallel_loop3A_311 = vector.broadcast %parallel_loop3A_310 : i32 to vector<16xi32>
          %parallel_loop3A_312 = arith.addi %parallel_loop3A_133, %parallel_loop3A_311 : vector<16xi32>
          %parallel_loop3A_313 = arith.constant 63 : i32
          %parallel_loop3A_314 = vector.broadcast %parallel_loop3A_313 : i32 to vector<16xi32>
          %parallel_loop3A_315 = arith.andi %parallel_loop3A_312, %parallel_loop3A_314 : vector<16xi32>
          %parallel_loop3A_316 = tpu.vector_load_idx %arg10[%parallel_loop3A_112, %parallel_loop3A_315] : memref<80x64xi32, #tpu.memory_space<vmem>>[vector<16xi32>, vector<16xi32>], vector<16xi32>,
          %parallel_loop3A_317 = vector.bitcast %parallel_loop3A_316 : vector<16xi32> to vector<32xbf16>
          %parallel_loop3A_318 = tpu.vector_load_idx %arg11[%parallel_loop3A_112, %parallel_loop3A_315] : memref<80x64xi32, #tpu.memory_space<vmem>>[vector<16xi32>, vector<16xi32>], vector<16xi32>,
          %parallel_loop3A_319 = vector.bitcast %parallel_loop3A_318 : vector<16xi32> to vector<32xbf16>
          %parallel_loop3A_320 = arith.mulf %parallel_loop3A_317, %parallel_loop3A_319 : vector<32xbf16>
          %parallel_loop3A_321 = arith.addf %parallel_loop3A_309, %parallel_loop3A_320 : vector<32xbf16>
          %parallel_loop3A_322 = arith.constant 15 : i32
          %parallel_loop3A_323 = vector.broadcast %parallel_loop3A_322 : i32 to vector<16xi32>
          %parallel_loop3A_324 = arith.addi %parallel_loop3A_133, %parallel_loop3A_323 : vector<16xi32>
          %parallel_loop3A_325 = arith.constant 63 : i32
          %parallel_loop3A_326 = vector.broadcast %parallel_loop3A_325 : i32 to vector<16xi32>
          %parallel_loop3A_327 = arith.andi %parallel_loop3A_324, %parallel_loop3A_326 : vector<16xi32>
          %parallel_loop3A_328 = tpu.vector_load_idx %arg10[%parallel_loop3A_112, %parallel_loop3A_327] : memref<80x64xi32, #tpu.memory_space<vmem>>[vector<16xi32>, vector<16xi32>], vector<16xi32>,
          %parallel_loop3A_329 = vector.bitcast %parallel_loop3A_328 : vector<16xi32> to vector<32xbf16>
          %parallel_loop3A_330 = tpu.vector_load_idx %arg11[%parallel_loop3A_112, %parallel_loop3A_327] : memref<80x64xi32, #tpu.memory_space<vmem>>[vector<16xi32>, vector<16xi32>], vector<16xi32>,
          %parallel_loop3A_331 = vector.bitcast %parallel_loop3A_330 : vector<16xi32> to vector<32xbf16>
          %parallel_loop3A_332 = arith.mulf %parallel_loop3A_329, %parallel_loop3A_331 : vector<32xbf16>
          %parallel_loop3A_333 = arith.addf %parallel_loop3A_321, %parallel_loop3A_332 : vector<32xbf16>
          %parallel_loop3A_334 = tpu.unpack_subelements %parallel_loop3A_333, 0 {pack_format = #tpu.pack_format<interleaved>} : vector<32xbf16> -> vector<16xf32>
          %parallel_loop3A_335 = tpu.unpack_subelements %parallel_loop3A_333, 1 {pack_format = #tpu.pack_format<interleaved>} : vector<32xbf16> -> vector<16xf32>
          %parallel_loop3A_336 = arith.addf %parallel_loop3A_234, %parallel_loop3A_334 : vector<16xf32>
          %parallel_loop3A_337 = arith.addf %parallel_loop3A_235, %parallel_loop3A_335 : vector<16xf32>
          scf.yield %parallel_loop3A_336, %parallel_loop3A_337 : vector<16xf32>, vector<16xf32>
        }
        %parallel_loop3A_120 = arith.constant 4 : i32
        %parallel_loop3A_121 = arith.addf %parallel_loop3A_119#0, %parallel_loop3A_119#1 : vector<16xf32>
        %parallel_loop3A_122 = arith.constant 16 : i32
        %parallel_loop3A_123 = arith.muli %parallel_loop3A_108, %parallel_loop3A_122 : i32
        %parallel_loop3A_124 = arith.addi %mul3A_91, %parallel_loop3A_123 : i32
        %parallel_loop3A_125 = arith.index_cast %parallel_loop3A_124 : i32 to index
        %parallel_loop3A_126 = tpu.vector_load %arg7[%parallel_loop3A_125] {strides = array<i32>} : memref<10000xf32, #tpu.memory_space<vmem>>, vector<16xf32>,
        tpu.vector_store %arg7[%parallel_loop3A_125], %parallel_loop3A_121 {strides = array<i32>} : memref<10000xf32, #tpu.memory_space<vmem>>, vector<16xf32>,
      } {sc.loop_unroll_factor = 1 : i64, sc.parallel_access}
      %add3A_95 = arith.constant 3 : i32
      %add3A_96 = arith.addi %mul3A_50, %add3A_95 : i32
      %min3A = arith.constant 124 : i32
      %min3A_97 = arith.minsi %add3A_96, %min3A : i32
      %mul3A_98 = arith.constant 80 : i32
      %mul3A_99 = arith.muli %min3A_97, %mul3A_98 : i32
      %dma_start3A_100 = tpu.memref_slice %arg5[%mul3A_99] : memref<10000xi32, #tpu.memory_space<vmem>> -> memref<80xi32, #tpu.memory_space<vmem>>
      %dma_start3A_101 = arith.constant 0 : i32
      %dma_start3A_102 = arith.constant 0 : i32
      %dma_start3A_103 = tpu.memref_slice %arg2[%dma_start3A_101, %dma_start3A_102] : memref<10000x64xi32, #tpu.memory_space<hbm>> -> memref<10000x64xi32, #tpu.memory_space<hbm>>
      tpu.enqueue_indirect_dma source(%dma_start3A_103 : memref<10000x64xi32, #tpu.memory_space<hbm>>) target(%arg10 : memref<80x64xi32, #tpu.memory_space<vmem>>) offsets(%dma_start3A_100 : memref<80xi32, #tpu.memory_space<vmem>>) semaphore(%arg13 : memref<!tpu.dma_semaphore, #tpu.memory_space<semaphore_mem>>)
      %dma_start3A_104 = tpu.memref_slice %arg6[%mul3A_99] : memref<10000xi32, #tpu.memory_space<vmem>> -> memref<80xi32, #tpu.memory_space<vmem>>
      %dma_start3A_105 = arith.constant 0 : i32
      %dma_start3A_106 = arith.constant 0 : i32
      %dma_start3A_107 = tpu.memref_slice %arg2[%dma_start3A_105, %dma_start3A_106] : memref<10000x64xi32, #tpu.memory_space<hbm>> -> memref<10000x64xi32, #tpu.memory_space<hbm>>
      tpu.enqueue_indirect_dma source(%dma_start3A_107 : memref<10000x64xi32, #tpu.memory_space<hbm>>) target(%arg11 : memref<80x64xi32, #tpu.memory_space<vmem>>) offsets(%dma_start3A_104 : memref<80xi32, #tpu.memory_space<vmem>>) semaphore(%arg13 : memref<!tpu.dma_semaphore, #tpu.memory_space<semaphore_mem>>)
    }
    %scan3A_26 = arith.constant 62 : i32
    %dma_wait3A = arith.constant 0 : i32
    %dma_wait3A_27 = tpu.memref_slice %arg5[%dma_wait3A] : memref<10000xi32, #tpu.memory_space<vmem>> -> memref<80xi32, #tpu.memory_space<vmem>>
    %dma_wait3A_28 = arith.constant 0 : i32
    %dma_wait3A_29 = arith.constant 0 : i32
    %dma_wait3A_30 = tpu.memref_slice %arg2[%dma_wait3A_28, %dma_wait3A_29] : memref<10000x64xi32, #tpu.memory_space<hbm>> -> memref<10000x64xi32, #tpu.memory_space<hbm>>
    tpu.wait_indirect_dma semaphore(%arg12 : memref<!tpu.dma_semaphore, #tpu.memory_space<semaphore_mem>>) src(%dma_wait3A_30 : memref<10000x64xi32, #tpu.memory_space<hbm>>) dst(%arg8 : memref<80x64xi32, #tpu.memory_space<vmem>>)
    %dma_wait3A_31 = arith.constant 0 : i32
    %dma_wait3A_32 = tpu.memref_slice %arg6[%dma_wait3A_31] : memref<10000xi32, #tpu.memory_space<vmem>> -> memref<80xi32, #tpu.memory_space<vmem>>
    %dma_wait3A_33 = arith.constant 0 : i32
    %dma_wait3A_34 = arith.constant 0 : i32
    %dma_wait3A_35 = tpu.memref_slice %arg2[%dma_wait3A_33, %dma_wait3A_34] : memref<10000x64xi32, #tpu.memory_space<hbm>> -> memref<10000x64xi32, #tpu.memory_space<hbm>>
    tpu.wait_indirect_dma semaphore(%arg12 : memref<!tpu.dma_semaphore, #tpu.memory_space<semaphore_mem>>) src(%dma_wait3A_35 : memref<10000x64xi32, #tpu.memory_space<hbm>>) dst(%arg9 : memref<80x64xi32, #tpu.memory_space<vmem>>)
    %parallel_loop3A = arith.constant 0 : i32
    %parallel_loop3A_36 = arith.constant 5 : i32
    %parallel_loop3A_37 = arith.constant 1 : i32
    scf.for %parallel_loop3A_48 = %parallel_loop3A to %parallel_loop3A_36 step %parallel_loop3A_37  : i32 {
      %parallel_loop3A_49 = arith.constant 16 : i32
      %parallel_loop3A_50 = arith.muli %parallel_loop3A_48, %parallel_loop3A_49 : i32
      %parallel_loop3A_51 = vector.broadcast %parallel_loop3A_50 : i32 to vector<16xi32>
      %parallel_loop3A_52 = arith.addi %parallel_loop3A_51, %iota3A : vector<16xi32>
      %parallel_loop3A_53 = arith.constant 0.000000e+00 : f32
      %parallel_loop3A_54 = vector.broadcast %parallel_loop3A_53 : f32 to vector<16xf32>
      %parallel_loop3A_55 = arith.constant 0 : i32
      %parallel_loop3A_56 = arith.constant 4 : i32
      %parallel_loop3A_57 = arith.addi %parallel_loop3A_55, %parallel_loop3A_56 : i32
      %parallel_loop3A_58 = arith.constant 1 : i32
      %parallel_loop3A_59:2 = scf.for %scan3A_68 = %parallel_loop3A_55 to %parallel_loop3A_57 step %parallel_loop3A_58 iter_args(%scan3A_69 = %parallel_loop3A_54, %scan3A_70 = %parallel_loop3A_54) -> (vector<16xf32>, vector<16xf32>)  : i32 {
        %parallel_loop3A_71 = arith.constant 16 : i32
        %parallel_loop3A_72 = arith.muli %scan3A_68, %parallel_loop3A_71 : i32
        %parallel_loop3A_73 = vector.broadcast %parallel_loop3A_72 : i32 to vector<16xi32>
        %parallel_loop3A_74 = arith.addi %iota3A, %parallel_loop3A_73 : vector<16xi32>
        %parallel_loop3A_75 = arith.constant 0.000000e+00 : bf16
        %parallel_loop3A_76 = vector.broadcast %parallel_loop3A_75 : bf16 to vector<32xbf16>
        %parallel_loop3A_77 = arith.constant 0 : i32
        %parallel_loop3A_78 = vector.broadcast %parallel_loop3A_77 : i32 to vector<16xi32>
        %parallel_loop3A_79 = arith.addi %parallel_loop3A_74, %parallel_loop3A_78 : vector<16xi32>
        %parallel_loop3A_80 = arith.constant 63 : i32
        %parallel_loop3A_81 = vector.broadcast %parallel_loop3A_80 : i32 to vector<16xi32>
        %parallel_loop3A_82 = arith.andi %parallel_loop3A_79, %parallel_loop3A_81 : vector<16xi32>
        %parallel_loop3A_83 = tpu.vector_load_idx %arg8[%parallel_loop3A_52, %parallel_loop3A_82] : memref<80x64xi32, #tpu.memory_space<vmem>>[vector<16xi32>, vector<16xi32>], vector<16xi32>,
        %parallel_loop3A_84 = vector.bitcast %parallel_loop3A_83 : vector<16xi32> to vector<32xbf16>
        %parallel_loop3A_85 = tpu.vector_load_idx %arg9[%parallel_loop3A_52, %parallel_loop3A_82] : memref<80x64xi32, #tpu.memory_space<vmem>>[vector<16xi32>, vector<16xi32>], vector<16xi32>,
        %parallel_loop3A_86 = vector.bitcast %parallel_loop3A_85 : vector<16xi32> to vector<32xbf16>
        %parallel_loop3A_87 = arith.mulf %parallel_loop3A_84, %parallel_loop3A_86 : vector<32xbf16>
        %parallel_loop3A_88 = arith.addf %parallel_loop3A_76, %parallel_loop3A_87 : vector<32xbf16>
        %parallel_loop3A_89 = arith.constant 1 : i32
        %parallel_loop3A_90 = vector.broadcast %parallel_loop3A_89 : i32 to vector<16xi32>
        %parallel_loop3A_91 = arith.addi %parallel_loop3A_74, %parallel_loop3A_90 : vector<16xi32>
        %parallel_loop3A_92 = arith.constant 63 : i32
        %parallel_loop3A_93 = vector.broadcast %parallel_loop3A_92 : i32 to vector<16xi32>
        %parallel_loop3A_94 = arith.andi %parallel_loop3A_91, %parallel_loop3A_93 : vector<16xi32>
        %parallel_loop3A_95 = tpu.vector_load_idx %arg8[%parallel_loop3A_52, %parallel_loop3A_94] : memref<80x64xi32, #tpu.memory_space<vmem>>[vector<16xi32>, vector<16xi32>], vector<16xi32>,
        %parallel_loop3A_96 = vector.bitcast %parallel_loop3A_95 : vector<16xi32> to vector<32xbf16>
        %parallel_loop3A_97 = tpu.vector_load_idx %arg9[%parallel_loop3A_52, %parallel_loop3A_94] : memref<80x64xi32, #tpu.memory_space<vmem>>[vector<16xi32>, vector<16xi32>], vector<16xi32>,
        %parallel_loop3A_98 = vector.bitcast %parallel_loop3A_97 : vector<16xi32> to vector<32xbf16>
        %parallel_loop3A_99 = arith.mulf %parallel_loop3A_96, %parallel_loop3A_98 : vector<32xbf16>
        %parallel_loop3A_100 = arith.addf %parallel_loop3A_88, %parallel_loop3A_99 : vector<32xbf16>
        %parallel_loop3A_101 = arith.constant 2 : i32
        %parallel_loop3A_102 = vector.broadcast %parallel_loop3A_101 : i32 to vector<16xi32>
        %parallel_loop3A_103 = arith.addi %parallel_loop3A_74, %parallel_loop3A_102 : vector<16xi32>
        %parallel_loop3A_104 = arith.constant 63 : i32
        %parallel_loop3A_105 = vector.broadcast %parallel_loop3A_104 : i32 to vector<16xi32>
        %parallel_loop3A_106 = arith.andi %parallel_loop3A_103, %parallel_loop3A_105 : vector<16xi32>
        %parallel_loop3A_107 = tpu.vector_load_idx %arg8[%parallel_loop3A_52, %parallel_loop3A_106] : memref<80x64xi32, #tpu.memory_space<vmem>>[vector<16xi32>, vector<16xi32>], vector<16xi32>,
        %parallel_loop3A_108 = vector.bitcast %parallel_loop3A_107 : vector<16xi32> to vector<32xbf16>
        %parallel_loop3A_109 = tpu.vector_load_idx %arg9[%parallel_loop3A_52, %parallel_loop3A_106] : memref<80x64xi32, #tpu.memory_space<vmem>>[vector<16xi32>, vector<16xi32>], vector<16xi32>,
        %parallel_loop3A_110 = vector.bitcast %parallel_loop3A_109 : vector<16xi32> to vector<32xbf16>
        %parallel_loop3A_111 = arith.mulf %parallel_loop3A_108, %parallel_loop3A_110 : vector<32xbf16>
        %parallel_loop3A_112 = arith.addf %parallel_loop3A_100, %parallel_loop3A_111 : vector<32xbf16>
        %parallel_loop3A_113 = arith.constant 3 : i32
        %parallel_loop3A_114 = vector.broadcast %parallel_loop3A_113 : i32 to vector<16xi32>
        %parallel_loop3A_115 = arith.addi %parallel_loop3A_74, %parallel_loop3A_114 : vector<16xi32>
        %parallel_loop3A_116 = arith.constant 63 : i32
        %parallel_loop3A_117 = vector.broadcast %parallel_loop3A_116 : i32 to vector<16xi32>
        %parallel_loop3A_118 = arith.andi %parallel_loop3A_115, %parallel_loop3A_117 : vector<16xi32>
        %parallel_loop3A_119 = tpu.vector_load_idx %arg8[%parallel_loop3A_52, %parallel_loop3A_118] : memref<80x64xi32, #tpu.memory_space<vmem>>[vector<16xi32>, vector<16xi32>], vector<16xi32>,
        %parallel_loop3A_120 = vector.bitcast %parallel_loop3A_119 : vector<16xi32> to vector<32xbf16>
        %parallel_loop3A_121 = tpu.vector_load_idx %arg9[%parallel_loop3A_52, %parallel_loop3A_118] : memref<80x64xi32, #tpu.memory_space<vmem>>[vector<16xi32>, vector<16xi32>], vector<16xi32>,
        %parallel_loop3A_122 = vector.bitcast %parallel_loop3A_121 : vector<16xi32> to vector<32xbf16>
        %parallel_loop3A_123 = arith.mulf %parallel_loop3A_120, %parallel_loop3A_122 : vector<32xbf16>
        %parallel_loop3A_124 = arith.addf %parallel_loop3A_112, %parallel_loop3A_123 : vector<32xbf16>
        %parallel_loop3A_125 = arith.constant 4 : i32
        %parallel_loop3A_126 = vector.broadcast %parallel_loop3A_125 : i32 to vector<16xi32>
        %parallel_loop3A_127 = arith.addi %parallel_loop3A_74, %parallel_loop3A_126 : vector<16xi32>
        %parallel_loop3A_128 = arith.constant 63 : i32
        %parallel_loop3A_129 = vector.broadcast %parallel_loop3A_128 : i32 to vector<16xi32>
        %parallel_loop3A_130 = arith.andi %parallel_loop3A_127, %parallel_loop3A_129 : vector<16xi32>
        %parallel_loop3A_131 = tpu.vector_load_idx %arg8[%parallel_loop3A_52, %parallel_loop3A_130] : memref<80x64xi32, #tpu.memory_space<vmem>>[vector<16xi32>, vector<16xi32>], vector<16xi32>,
        %parallel_loop3A_132 = vector.bitcast %parallel_loop3A_131 : vector<16xi32> to vector<32xbf16>
        %parallel_loop3A_133 = tpu.vector_load_idx %arg9[%parallel_loop3A_52, %parallel_loop3A_130] : memref<80x64xi32, #tpu.memory_space<vmem>>[vector<16xi32>, vector<16xi32>], vector<16xi32>,
        %parallel_loop3A_134 = vector.bitcast %parallel_loop3A_133 : vector<16xi32> to vector<32xbf16>
        %parallel_loop3A_135 = arith.mulf %parallel_loop3A_132, %parallel_loop3A_134 : vector<32xbf16>
        %parallel_loop3A_136 = arith.addf %parallel_loop3A_124, %parallel_loop3A_135 : vector<32xbf16>
        %parallel_loop3A_137 = arith.constant 5 : i32
        %parallel_loop3A_138 = vector.broadcast %parallel_loop3A_137 : i32 to vector<16xi32>
        %parallel_loop3A_139 = arith.addi %parallel_loop3A_74, %parallel_loop3A_138 : vector<16xi32>
        %parallel_loop3A_140 = arith.constant 63 : i32
        %parallel_loop3A_141 = vector.broadcast %parallel_loop3A_140 : i32 to vector<16xi32>
        %parallel_loop3A_142 = arith.andi %parallel_loop3A_139, %parallel_loop3A_141 : vector<16xi32>
        %parallel_loop3A_143 = tpu.vector_load_idx %arg8[%parallel_loop3A_52, %parallel_loop3A_142] : memref<80x64xi32, #tpu.memory_space<vmem>>[vector<16xi32>, vector<16xi32>], vector<16xi32>,
        %parallel_loop3A_144 = vector.bitcast %parallel_loop3A_143 : vector<16xi32> to vector<32xbf16>
        %parallel_loop3A_145 = tpu.vector_load_idx %arg9[%parallel_loop3A_52, %parallel_loop3A_142] : memref<80x64xi32, #tpu.memory_space<vmem>>[vector<16xi32>, vector<16xi32>], vector<16xi32>,
        %parallel_loop3A_146 = vector.bitcast %parallel_loop3A_145 : vector<16xi32> to vector<32xbf16>
        %parallel_loop3A_147 = arith.mulf %parallel_loop3A_144, %parallel_loop3A_146 : vector<32xbf16>
        %parallel_loop3A_148 = arith.addf %parallel_loop3A_136, %parallel_loop3A_147 : vector<32xbf16>
        %parallel_loop3A_149 = arith.constant 6 : i32
        %parallel_loop3A_150 = vector.broadcast %parallel_loop3A_149 : i32 to vector<16xi32>
        %parallel_loop3A_151 = arith.addi %parallel_loop3A_74, %parallel_loop3A_150 : vector<16xi32>
        %parallel_loop3A_152 = arith.constant 63 : i32
        %parallel_loop3A_153 = vector.broadcast %parallel_loop3A_152 : i32 to vector<16xi32>
        %parallel_loop3A_154 = arith.andi %parallel_loop3A_151, %parallel_loop3A_153 : vector<16xi32>
        %parallel_loop3A_155 = tpu.vector_load_idx %arg8[%parallel_loop3A_52, %parallel_loop3A_154] : memref<80x64xi32, #tpu.memory_space<vmem>>[vector<16xi32>, vector<16xi32>], vector<16xi32>,
        %parallel_loop3A_156 = vector.bitcast %parallel_loop3A_155 : vector<16xi32> to vector<32xbf16>
        %parallel_loop3A_157 = tpu.vector_load_idx %arg9[%parallel_loop3A_52, %parallel_loop3A_154] : memref<80x64xi32, #tpu.memory_space<vmem>>[vector<16xi32>, vector<16xi32>], vector<16xi32>,
        %parallel_loop3A_158 = vector.bitcast %parallel_loop3A_157 : vector<16xi32> to vector<32xbf16>
        %parallel_loop3A_159 = arith.mulf %parallel_loop3A_156, %parallel_loop3A_158 : vector<32xbf16>
        %parallel_loop3A_160 = arith.addf %parallel_loop3A_148, %parallel_loop3A_159 : vector<32xbf16>
        %parallel_loop3A_161 = arith.constant 7 : i32
        %parallel_loop3A_162 = vector.broadcast %parallel_loop3A_161 : i32 to vector<16xi32>
        %parallel_loop3A_163 = arith.addi %parallel_loop3A_74, %parallel_loop3A_162 : vector<16xi32>
        %parallel_loop3A_164 = arith.constant 63 : i32
        %parallel_loop3A_165 = vector.broadcast %parallel_loop3A_164 : i32 to vector<16xi32>
        %parallel_loop3A_166 = arith.andi %parallel_loop3A_163, %parallel_loop3A_165 : vector<16xi32>
        %parallel_loop3A_167 = tpu.vector_load_idx %arg8[%parallel_loop3A_52, %parallel_loop3A_166] : memref<80x64xi32, #tpu.memory_space<vmem>>[vector<16xi32>, vector<16xi32>], vector<16xi32>,
        %parallel_loop3A_168 = vector.bitcast %parallel_loop3A_167 : vector<16xi32> to vector<32xbf16>
        %parallel_loop3A_169 = tpu.vector_load_idx %arg9[%parallel_loop3A_52, %parallel_loop3A_166] : memref<80x64xi32, #tpu.memory_space<vmem>>[vector<16xi32>, vector<16xi32>], vector<16xi32>,
        %parallel_loop3A_170 = vector.bitcast %parallel_loop3A_169 : vector<16xi32> to vector<32xbf16>
        %parallel_loop3A_171 = arith.mulf %parallel_loop3A_168, %parallel_loop3A_170 : vector<32xbf16>
        %parallel_loop3A_172 = arith.addf %parallel_loop3A_160, %parallel_loop3A_171 : vector<32xbf16>
        %parallel_loop3A_173 = tpu.unpack_subelements %parallel_loop3A_172, 0 {pack_format = #tpu.pack_format<interleaved>} : vector<32xbf16> -> vector<16xf32>
        %parallel_loop3A_174 = tpu.unpack_subelements %parallel_loop3A_172, 1 {pack_format = #tpu.pack_format<interleaved>} : vector<32xbf16> -> vector<16xf32>
        %parallel_loop3A_175 = arith.addf %scan3A_69, %parallel_loop3A_173 : vector<16xf32>
        %parallel_loop3A_176 = arith.addf %scan3A_70, %parallel_loop3A_174 : vector<16xf32>
        %parallel_loop3A_177 = arith.constant 0.000000e+00 : bf16
        %parallel_loop3A_178 = vector.broadcast %parallel_loop3A_177 : bf16 to vector<32xbf16>
        %parallel_loop3A_179 = arith.constant 8 : i32
        %parallel_loop3A_180 = vector.broadcast %parallel_loop3A_179 : i32 to vector<16xi32>
        %parallel_loop3A_181 = arith.addi %parallel_loop3A_74, %parallel_loop3A_180 : vector<16xi32>
        %parallel_loop3A_182 = arith.constant 63 : i32
        %parallel_loop3A_183 = vector.broadcast %parallel_loop3A_182 : i32 to vector<16xi32>
        %parallel_loop3A_184 = arith.andi %parallel_loop3A_181, %parallel_loop3A_183 : vector<16xi32>
        %parallel_loop3A_185 = tpu.vector_load_idx %arg8[%parallel_loop3A_52, %parallel_loop3A_184] : memref<80x64xi32, #tpu.memory_space<vmem>>[vector<16xi32>, vector<16xi32>], vector<16xi32>,
        %parallel_loop3A_186 = vector.bitcast %parallel_loop3A_185 : vector<16xi32> to vector<32xbf16>
        %parallel_loop3A_187 = tpu.vector_load_idx %arg9[%parallel_loop3A_52, %parallel_loop3A_184] : memref<80x64xi32, #tpu.memory_space<vmem>>[vector<16xi32>, vector<16xi32>], vector<16xi32>,
        %parallel_loop3A_188 = vector.bitcast %parallel_loop3A_187 : vector<16xi32> to vector<32xbf16>
        %parallel_loop3A_189 = arith.mulf %parallel_loop3A_186, %parallel_loop3A_188 : vector<32xbf16>
        %parallel_loop3A_190 = arith.addf %parallel_loop3A_178, %parallel_loop3A_189 : vector<32xbf16>
        %parallel_loop3A_191 = arith.constant 9 : i32
        %parallel_loop3A_192 = vector.broadcast %parallel_loop3A_191 : i32 to vector<16xi32>
        %parallel_loop3A_193 = arith.addi %parallel_loop3A_74, %parallel_loop3A_192 : vector<16xi32>
        %parallel_loop3A_194 = arith.constant 63 : i32
        %parallel_loop3A_195 = vector.broadcast %parallel_loop3A_194 : i32 to vector<16xi32>
        %parallel_loop3A_196 = arith.andi %parallel_loop3A_193, %parallel_loop3A_195 : vector<16xi32>
        %parallel_loop3A_197 = tpu.vector_load_idx %arg8[%parallel_loop3A_52, %parallel_loop3A_196] : memref<80x64xi32, #tpu.memory_space<vmem>>[vector<16xi32>, vector<16xi32>], vector<16xi32>,
        %parallel_loop3A_198 = vector.bitcast %parallel_loop3A_197 : vector<16xi32> to vector<32xbf16>
        %parallel_loop3A_199 = tpu.vector_load_idx %arg9[%parallel_loop3A_52, %parallel_loop3A_196] : memref<80x64xi32, #tpu.memory_space<vmem>>[vector<16xi32>, vector<16xi32>], vector<16xi32>,
        %parallel_loop3A_200 = vector.bitcast %parallel_loop3A_199 : vector<16xi32> to vector<32xbf16>
        %parallel_loop3A_201 = arith.mulf %parallel_loop3A_198, %parallel_loop3A_200 : vector<32xbf16>
        %parallel_loop3A_202 = arith.addf %parallel_loop3A_190, %parallel_loop3A_201 : vector<32xbf16>
        %parallel_loop3A_203 = arith.constant 10 : i32
        %parallel_loop3A_204 = vector.broadcast %parallel_loop3A_203 : i32 to vector<16xi32>
        %parallel_loop3A_205 = arith.addi %parallel_loop3A_74, %parallel_loop3A_204 : vector<16xi32>
        %parallel_loop3A_206 = arith.constant 63 : i32
        %parallel_loop3A_207 = vector.broadcast %parallel_loop3A_206 : i32 to vector<16xi32>
        %parallel_loop3A_208 = arith.andi %parallel_loop3A_205, %parallel_loop3A_207 : vector<16xi32>
        %parallel_loop3A_209 = tpu.vector_load_idx %arg8[%parallel_loop3A_52, %parallel_loop3A_208] : memref<80x64xi32, #tpu.memory_space<vmem>>[vector<16xi32>, vector<16xi32>], vector<16xi32>,
        %parallel_loop3A_210 = vector.bitcast %parallel_loop3A_209 : vector<16xi32> to vector<32xbf16>
        %parallel_loop3A_211 = tpu.vector_load_idx %arg9[%parallel_loop3A_52, %parallel_loop3A_208] : memref<80x64xi32, #tpu.memory_space<vmem>>[vector<16xi32>, vector<16xi32>], vector<16xi32>,
        %parallel_loop3A_212 = vector.bitcast %parallel_loop3A_211 : vector<16xi32> to vector<32xbf16>
        %parallel_loop3A_213 = arith.mulf %parallel_loop3A_210, %parallel_loop3A_212 : vector<32xbf16>
        %parallel_loop3A_214 = arith.addf %parallel_loop3A_202, %parallel_loop3A_213 : vector<32xbf16>
        %parallel_loop3A_215 = arith.constant 11 : i32
        %parallel_loop3A_216 = vector.broadcast %parallel_loop3A_215 : i32 to vector<16xi32>
        %parallel_loop3A_217 = arith.addi %parallel_loop3A_74, %parallel_loop3A_216 : vector<16xi32>
        %parallel_loop3A_218 = arith.constant 63 : i32
        %parallel_loop3A_219 = vector.broadcast %parallel_loop3A_218 : i32 to vector<16xi32>
        %parallel_loop3A_220 = arith.andi %parallel_loop3A_217, %parallel_loop3A_219 : vector<16xi32>
        %parallel_loop3A_221 = tpu.vector_load_idx %arg8[%parallel_loop3A_52, %parallel_loop3A_220] : memref<80x64xi32, #tpu.memory_space<vmem>>[vector<16xi32>, vector<16xi32>], vector<16xi32>,
        %parallel_loop3A_222 = vector.bitcast %parallel_loop3A_221 : vector<16xi32> to vector<32xbf16>
        %parallel_loop3A_223 = tpu.vector_load_idx %arg9[%parallel_loop3A_52, %parallel_loop3A_220] : memref<80x64xi32, #tpu.memory_space<vmem>>[vector<16xi32>, vector<16xi32>], vector<16xi32>,
        %parallel_loop3A_224 = vector.bitcast %parallel_loop3A_223 : vector<16xi32> to vector<32xbf16>
        %parallel_loop3A_225 = arith.mulf %parallel_loop3A_222, %parallel_loop3A_224 : vector<32xbf16>
        %parallel_loop3A_226 = arith.addf %parallel_loop3A_214, %parallel_loop3A_225 : vector<32xbf16>
        %parallel_loop3A_227 = arith.constant 12 : i32
        %parallel_loop3A_228 = vector.broadcast %parallel_loop3A_227 : i32 to vector<16xi32>
        %parallel_loop3A_229 = arith.addi %parallel_loop3A_74, %parallel_loop3A_228 : vector<16xi32>
        %parallel_loop3A_230 = arith.constant 63 : i32
        %parallel_loop3A_231 = vector.broadcast %parallel_loop3A_230 : i32 to vector<16xi32>
        %parallel_loop3A_232 = arith.andi %parallel_loop3A_229, %parallel_loop3A_231 : vector<16xi32>
        %parallel_loop3A_233 = tpu.vector_load_idx %arg8[%parallel_loop3A_52, %parallel_loop3A_232] : memref<80x64xi32, #tpu.memory_space<vmem>>[vector<16xi32>, vector<16xi32>], vector<16xi32>,
        %parallel_loop3A_234 = vector.bitcast %parallel_loop3A_233 : vector<16xi32> to vector<32xbf16>
        %parallel_loop3A_235 = tpu.vector_load_idx %arg9[%parallel_loop3A_52, %parallel_loop3A_232] : memref<80x64xi32, #tpu.memory_space<vmem>>[vector<16xi32>, vector<16xi32>], vector<16xi32>,
        %parallel_loop3A_236 = vector.bitcast %parallel_loop3A_235 : vector<16xi32> to vector<32xbf16>
        %parallel_loop3A_237 = arith.mulf %parallel_loop3A_234, %parallel_loop3A_236 : vector<32xbf16>
        %parallel_loop3A_238 = arith.addf %parallel_loop3A_226, %parallel_loop3A_237 : vector<32xbf16>
        %parallel_loop3A_239 = arith.constant 13 : i32
        %parallel_loop3A_240 = vector.broadcast %parallel_loop3A_239 : i32 to vector<16xi32>
        %parallel_loop3A_241 = arith.addi %parallel_loop3A_74, %parallel_loop3A_240 : vector<16xi32>
        %parallel_loop3A_242 = arith.constant 63 : i32
        %parallel_loop3A_243 = vector.broadcast %parallel_loop3A_242 : i32 to vector<16xi32>
        %parallel_loop3A_244 = arith.andi %parallel_loop3A_241, %parallel_loop3A_243 : vector<16xi32>
        %parallel_loop3A_245 = tpu.vector_load_idx %arg8[%parallel_loop3A_52, %parallel_loop3A_244] : memref<80x64xi32, #tpu.memory_space<vmem>>[vector<16xi32>, vector<16xi32>], vector<16xi32>,
        %parallel_loop3A_246 = vector.bitcast %parallel_loop3A_245 : vector<16xi32> to vector<32xbf16>
        %parallel_loop3A_247 = tpu.vector_load_idx %arg9[%parallel_loop3A_52, %parallel_loop3A_244] : memref<80x64xi32, #tpu.memory_space<vmem>>[vector<16xi32>, vector<16xi32>], vector<16xi32>,
        %parallel_loop3A_248 = vector.bitcast %parallel_loop3A_247 : vector<16xi32> to vector<32xbf16>
        %parallel_loop3A_249 = arith.mulf %parallel_loop3A_246, %parallel_loop3A_248 : vector<32xbf16>
        %parallel_loop3A_250 = arith.addf %parallel_loop3A_238, %parallel_loop3A_249 : vector<32xbf16>
        %parallel_loop3A_251 = arith.constant 14 : i32
        %parallel_loop3A_252 = vector.broadcast %parallel_loop3A_251 : i32 to vector<16xi32>
        %parallel_loop3A_253 = arith.addi %parallel_loop3A_74, %parallel_loop3A_252 : vector<16xi32>
        %parallel_loop3A_254 = arith.constant 63 : i32
        %parallel_loop3A_255 = vector.broadcast %parallel_loop3A_254 : i32 to vector<16xi32>
        %parallel_loop3A_256 = arith.andi %parallel_loop3A_253, %parallel_loop3A_255 : vector<16xi32>
        %parallel_loop3A_257 = tpu.vector_load_idx %arg8[%parallel_loop3A_52, %parallel_loop3A_256] : memref<80x64xi32, #tpu.memory_space<vmem>>[vector<16xi32>, vector<16xi32>], vector<16xi32>,
        %parallel_loop3A_258 = vector.bitcast %parallel_loop3A_257 : vector<16xi32> to vector<32xbf16>
        %parallel_loop3A_259 = tpu.vector_load_idx %arg9[%parallel_loop3A_52, %parallel_loop3A_256] : memref<80x64xi32, #tpu.memory_space<vmem>>[vector<16xi32>, vector<16xi32>], vector<16xi32>,
        %parallel_loop3A_260 = vector.bitcast %parallel_loop3A_259 : vector<16xi32> to vector<32xbf16>
        %parallel_loop3A_261 = arith.mulf %parallel_loop3A_258, %parallel_loop3A_260 : vector<32xbf16>
        %parallel_loop3A_262 = arith.addf %parallel_loop3A_250, %parallel_loop3A_261 : vector<32xbf16>
        %parallel_loop3A_263 = arith.constant 15 : i32
        %parallel_loop3A_264 = vector.broadcast %parallel_loop3A_263 : i32 to vector<16xi32>
        %parallel_loop3A_265 = arith.addi %parallel_loop3A_74, %parallel_loop3A_264 : vector<16xi32>
        %parallel_loop3A_266 = arith.constant 63 : i32
        %parallel_loop3A_267 = vector.broadcast %parallel_loop3A_266 : i32 to vector<16xi32>
        %parallel_loop3A_268 = arith.andi %parallel_loop3A_265, %parallel_loop3A_267 : vector<16xi32>
        %parallel_loop3A_269 = tpu.vector_load_idx %arg8[%parallel_loop3A_52, %parallel_loop3A_268] : memref<80x64xi32, #tpu.memory_space<vmem>>[vector<16xi32>, vector<16xi32>], vector<16xi32>,
        %parallel_loop3A_270 = vector.bitcast %parallel_loop3A_269 : vector<16xi32> to vector<32xbf16>
        %parallel_loop3A_271 = tpu.vector_load_idx %arg9[%parallel_loop3A_52, %parallel_loop3A_268] : memref<80x64xi32, #tpu.memory_space<vmem>>[vector<16xi32>, vector<16xi32>], vector<16xi32>,
        %parallel_loop3A_272 = vector.bitcast %parallel_loop3A_271 : vector<16xi32> to vector<32xbf16>
        %parallel_loop3A_273 = arith.mulf %parallel_loop3A_270, %parallel_loop3A_272 : vector<32xbf16>
        %parallel_loop3A_274 = arith.addf %parallel_loop3A_262, %parallel_loop3A_273 : vector<32xbf16>
        %parallel_loop3A_275 = tpu.unpack_subelements %parallel_loop3A_274, 0 {pack_format = #tpu.pack_format<interleaved>} : vector<32xbf16> -> vector<16xf32>
        %parallel_loop3A_276 = tpu.unpack_subelements %parallel_loop3A_274, 1 {pack_format = #tpu.pack_format<interleaved>} : vector<32xbf16> -> vector<16xf32>
        %parallel_loop3A_277 = arith.addf %parallel_loop3A_175, %parallel_loop3A_275 : vector<16xf32>
        %parallel_loop3A_278 = arith.addf %parallel_loop3A_176, %parallel_loop3A_276 : vector<16xf32>
        scf.yield %parallel_loop3A_277, %parallel_loop3A_278 : vector<16xf32>, vector<16xf32>
      }
      %parallel_loop3A_60 = arith.constant 4 : i32
      %parallel_loop3A_61 = arith.addf %parallel_loop3A_59#0, %parallel_loop3A_59#1 : vector<16xf32>
      %parallel_loop3A_62 = arith.constant 16 : i32
      %parallel_loop3A_63 = arith.muli %parallel_loop3A_48, %parallel_loop3A_62 : i32
      %parallel_loop3A_64 = arith.constant 9920 : i32
      %parallel_loop3A_65 = arith.addi %parallel_loop3A_64, %parallel_loop3A_63 : i32
      %parallel_loop3A_66 = arith.index_cast %parallel_loop3A_65 : i32 to index
      %parallel_loop3A_67 = tpu.vector_load %arg7[%parallel_loop3A_66] {strides = array<i32>} : memref<10000xf32, #tpu.memory_space<vmem>>, vector<16xf32>,
      tpu.vector_store %arg7[%parallel_loop3A_66], %parallel_loop3A_61 {strides = array<i32>} : memref<10000xf32, #tpu.memory_space<vmem>>, vector<16xf32>,
    } {sc.loop_unroll_factor = 1 : i64, sc.parallel_access}
    %dma_wait3A_38 = arith.constant 0 : i32
    %dma_wait3A_39 = tpu.memref_slice %arg5[%dma_wait3A_38] : memref<10000xi32, #tpu.memory_space<vmem>> -> memref<80xi32, #tpu.memory_space<vmem>>
    %dma_wait3A_40 = arith.constant 0 : i32
    %dma_wait3A_41 = arith.constant 0 : i32
    %dma_wait3A_42 = tpu.memref_slice %arg2[%dma_wait3A_40, %dma_wait3A_41] : memref<10000x64xi32, #tpu.memory_space<hbm>> -> memref<10000x64xi32, #tpu.memory_space<hbm>>
    tpu.wait_indirect_dma semaphore(%arg13 : memref<!tpu.dma_semaphore, #tpu.memory_space<semaphore_mem>>) src(%dma_wait3A_42 : memref<10000x64xi32, #tpu.memory_space<hbm>>) dst(%arg10 : memref<80x64xi32, #tpu.memory_space<vmem>>)
    %dma_wait3A_43 = arith.constant 0 : i32
    %dma_wait3A_44 = tpu.memref_slice %arg6[%dma_wait3A_43] : memref<10000xi32, #tpu.memory_space<vmem>> -> memref<80xi32, #tpu.memory_space<vmem>>
    %dma_wait3A_45 = arith.constant 0 : i32
    %dma_wait3A_46 = arith.constant 0 : i32
    %dma_wait3A_47 = tpu.memref_slice %arg2[%dma_wait3A_45, %dma_wait3A_46] : memref<10000x64xi32, #tpu.memory_space<hbm>> -> memref<10000x64xi32, #tpu.memory_space<hbm>>
    tpu.wait_indirect_dma semaphore(%arg13 : memref<!tpu.dma_semaphore, #tpu.memory_space<semaphore_mem>>) src(%dma_wait3A_47 : memref<10000x64xi32, #tpu.memory_space<hbm>>) dst(%arg11 : memref<80x64xi32, #tpu.memory_space<vmem>>)
    "tpu.region"() ({
      %run_scoped3A_48 = tpu.sem_alloc : memref<!tpu.dma_semaphore, #tpu.memory_space<semaphore_mem>>
      %dma_start3A_49 = tpu.memref_slice %arg4[%mul3A_2] : memref<320000xf32, #tpu.memory_space<hbm>> -> memref<10000xf32, #tpu.memory_space<hbm>>
      %dma_start3A_50 = tpu.memref_slice %arg4[%mul3A_2] : memref<320000xf32, #tpu.memory_space<hbm>> -> memref<10000xf32, #tpu.memory_space<hbm>>
      tpu.enqueue_dma source(%arg7 : memref<10000xf32, #tpu.memory_space<vmem>>) target(%dma_start3A_50 : memref<10000xf32, #tpu.memory_space<hbm>>) target_semaphore(%run_scoped3A_48 : memref<!tpu.dma_semaphore, #tpu.memory_space<semaphore_mem>>)
      %dma_wait3A_51 = tpu.memref_slice %arg4[%mul3A_2] : memref<320000xf32, #tpu.memory_space<hbm>> -> memref<10000xf32, #tpu.memory_space<hbm>>
      %dma_wait3A_52 = tpu.memref_slice %arg4[%mul3A_2] : memref<320000xf32, #tpu.memory_space<hbm>> -> memref<10000xf32, #tpu.memory_space<hbm>>
      tpu.wait_dma2 semaphore(%run_scoped3A_48 : memref<!tpu.dma_semaphore, #tpu.memory_space<semaphore_mem>>) src(%arg7 : memref<10000xf32, #tpu.memory_space<vmem>>) dst(%dma_wait3A_52 : memref<10000xf32, #tpu.memory_space<hbm>>)
      tpu.yield
    }) : () -> ()
    return
  }
}

</mosaic_0001>

<sc_bundles>
// kernel: kernel.3.cloned.1.call-start
scs
__scs_entry_jumppad:
0x0: {  	(pc) =	sbr.rel $0x88, $3  }
0x1: {  	(tag) =	ssettag $0x0;
	lr =	simm.s32 $0x1  }
0x2: {  	[smem:$0x3F9F] =	sst lr;
	_ =	strace $0xD0000000  }
0x3: {  	_ = 	snop  }
0x4: {  	_ = 	snop  }
0x5: {  	_ = 	snop  }
0x6: {  	_ = 	snop  }
0x7: {  	_ = 	snop  }
__scs_overlays_trampoline_lowered:
0x8: {  	[smem:$0x3FAE] =	sst s0  }
0x9: {  	[smem:$0x3FAF] =	sst s1  }
0xa: {  	[smem:$0x3FB0] =	sst s2  }
0xb: {  	[smem:$0x3FB1] =	sst s3  }
0xc: {  	[smem:$0x3FB2] =	sst s4  }
0xd: {  	[smem:$0x3FB3] =	sst s5  }
0xe: {  	[smem:$0x3FB4] =	sst s6  }
0xf: {  	[smem:$0x3FB5] =	sst s7  }
0x10: {  	[smem:$0x3FB6] =	sst s8  }
0x11: {  	[smem:$0x3FB7] =	sst s9;
	s0 =	simm.s32 @!p0 $0x0  }
0x12: {  	s1 =	sld [smem:$0x3F9D];
	s0 =	simm.s32 @p0 $0x1  }
0x13: {  	[smem:$0x3FB8] =	sst s0;
	s0 =	simm.s32 @!p1 $0x0  }
0x14: {  	s2 =	sld [smem:$0x3F9C];
	s0 =	simm.s32 @p1 $0x1  }
0x15: {  	[smem:$0x3FB9] =	sst s0;
	s0 =	simm.s32 @!p2 $0x0  }
0x16: {  	s3 =	sld [smem:$0x3FDB];
	s0 =	simm.s32 @p2 $0x1  }
0x17: {  	s4 =	simm.s32 $0x1BF5;
	[smem:$0x3FBB] =	sst s0  }
0x18: {  	s0 =	sld [smem:$0x3F9E];
	_ =	swait.ge [sflag:s4], $0x0  }
0x19: {  	s7 =	sld [smem:$0x3F9F]  }
0x1a: {  	s8 =	sadd.s32 $0xFFFFE003, lr  }
0x1b: {  	s9 =	sadd.s32 $0xFFFFFEF7, lr;
	s5 =	simm.s32 $0xFFFFFFFF;
	p2 =	slt.u32 s8, $0xFFFFF086  }
0x1c: {  	p1 =	slt.u32 s9, $0xF7A;
	s5 =	simm.s32 @!p2 $0x0  }
0x1d: {  	s5 =	simm.s32 @p1 $0x1;
	p0 =	seq.s32 s7, s2  }
0x1e: {  	s7 =	smul.u32 @!p0 $0xF7A, s2;
	p2 =	seq.s32 @!p0 s5, $0x0  }
0x1f: {  	s9 =	smul.u32 $0xF7A, s1;
	s8 =	simm.s32 @!p0 $0x1BF5;
	p2 =	por !p2, p0  }
0x20: {  	[sflag:s8] =	ssyncset.s32 @!p0 $0xFFFFF086;
	s6 =	sadd.s32 @!p0 s3, s7;
	s7 =	simm.s32 @!p0 $0x108  }
0x21: {  	s3 =	sadd.s32 s3, s9;
	s6 =	sadd.s32 @!p0 $0x88, s6;
	s7 =	simm.s32 @p2 $0x1082  }
0x22: {  	[simem:s7], [sflag:s8] =	dma.local @!p0 [hbm:s6], $0xF7A  }
0x23: {  	s9 =	sor.u32 $0xD0000000, s2;
	s6 =	simm.s32 $0x108;
	_ =	swait.ge @!p0 [sflag:s8], $0x0  }
0x24: {  	s3 =	sadd.s32 $0x88, s3;
	s6 =	simm.s32 @!p1 $0x1082;
	[sflag:s4] =	ssyncset.s32 $0xFFFFF086  }
0x25: {  	[simem:s6], [sflag:s4] =	dma.local [hbm:s3], $0xF7A  }
0x26: {  	[smem:$0x3F9F] =	sst s1;
	(tag) =	ssettag s2;
	_ =	strace s9  }
0x27: {  	s1 =	sld [smem:$0x3FAF]  }
0x28: {  	s2 =	sld [smem:$0x3FB0]  }
0x29: {  	s4 =	sld [smem:$0x3FB2]  }
0x2a: {  	p0 =	seq.s32 s5, $0x0;
	s5 =	sld [smem:$0x3FB3]  }
0x2b: {  	s6 =	sld [smem:$0x3FB4]  }
0x2c: {  	s7 =	sld [smem:$0x3FB5]  }
0x2d: {  	s3 =	simm.s32 $0x108;
	s8 =	sld [smem:$0x3FB6]  }
0x2e: {  	s3 =	simm.s32 @!p0 $0x1082;
	s9 =	sld [smem:$0x3FB7]  }
0x2f: {  	lr =	sadd.s32 s0, s3;
	s0 =	sld [smem:$0x3FAE]  }
0x30: {  	s3 =	sld [smem:$0x3FB1]  }
0x31: {  	[smem:$0x3FBA] =	sst s10  }
0x32: {  	s10 =	sld [smem:$0x3FB8];
	_ =	sdelay $0x3  }
0x33: {  	p0 =	seq.s32 s10, $0x1;
	s10 =	sld [smem:$0x3FBA];
	_ =	sdelay $0x3  }
0x34: {  	[smem:$0x3FBA] =	sst s10  }
0x35: {  	s10 =	sld [smem:$0x3FB9];
	_ =	sdelay $0x3  }
0x36: {  	p1 =	seq.s32 s10, $0x1;
	s10 =	sld [smem:$0x3FBA];
	_ =	sdelay $0x3  }
0x37: {  	[smem:$0x3FBA] =	sst s10  }
0x38: {  	s10 =	sld [smem:$0x3FBB]  }
0x39: {  	_ = 	snop;
	(pc) =	sbr.ind lr, $3  }
0x3a: {  	_ = 	snop  }
0x3b: {  	_ = 	snop  }
0x3c: {  	p2 =	seq.s32 s10, $0x1;
	s10 =	sld [smem:$0x3FBA]  }
0x3d: {  	_ =	shalt  }
0x3e: {  	_ =	shalt  }
0x3f: {  	_ =	shalt  }
0x40: {  	_ =	shalt  }
0x41: {  	_ =	shalt  }
0x42: {  	_ =	shalt  }
0x43: {  	_ =	shalt  }
0x44: {  	_ =	shalt  }
0x45: {  	_ =	shalt  }
0x46: {  	_ =	shalt  }
0x47: {  	_ =	shalt  }
0x48: {  	_ =	shalt  }
0x49: {  	_ =	shalt  }
0x4a: {  	_ =	shalt  }
0x4b: {  	_ =	shalt  }
0x4c: {  	_ =	shalt  }
0x4d: {  	_ =	shalt  }
0x4e: {  	_ =	shalt  }
0x4f: {  	_ =	shalt  }
0x50: {  	_ =	shalt  }
0x51: {  	_ =	shalt  }
0x52: {  	_ =	shalt  }
0x53: {  	_ =	shalt  }
0x54: {  	_ =	shalt  }
0x55: {  	_ =	shalt  }
0x56: {  	_ =	shalt  }
0x57: {  	_ =	shalt  }
0x58: {  	_ =	shalt  }
0x59: {  	_ =	shalt  }
0x5a: {  	_ =	shalt  }
0x5b: {  	_ =	shalt  }
0x5c: {  	_ =	shalt  }
0x5d: {  	_ =	shalt  }
0x5e: {  	_ =	shalt  }
0x5f: {  	_ =	shalt  }
0x60: {  	_ =	shalt  }
0x61: {  	_ =	shalt  }
0x62: {  	_ =	shalt  }
0x63: {  	_ =	shalt  }
0x64: {  	_ =	shalt  }
0x65: {  	_ =	shalt  }
0x66: {  	_ =	shalt  }
0x67: {  	_ =	shalt  }
0x68: {  	_ =	shalt  }
0x69: {  	_ =	shalt  }
0x6a: {  	_ =	shalt  }
0x6b: {  	_ =	shalt  }
0x6c: {  	_ =	shalt  }
0x6d: {  	_ =	shalt  }
0x6e: {  	_ =	shalt  }
0x6f: {  	_ =	shalt  }
0x70: {  	_ =	shalt  }
0x71: {  	_ =	shalt  }
0x72: {  	_ =	shalt  }
0x73: {  	_ =	shalt  }
0x74: {  	_ =	shalt  }
0x75: {  	_ =	shalt  }
0x76: {  	_ =	shalt  }
0x77: {  	_ =	shalt  }
0x78: {  	_ =	shalt  }
0x79: {  	_ =	shalt  }
0x7a: {  	_ =	shalt  }
0x7b: {  	_ =	shalt  }
0x7c: {  	_ =	shalt  }
0x7d: {  	_ =	shalt  }
0x7e: {  	_ =	shalt  }
0x7f: {  	_ =	shalt  }
0x80: {  	_ =	shalt  }
0x81: {  	_ =	shalt  }
0x82: {  	_ =	shalt  }
0x83: {  	_ =	shalt  }
0x84: {  	_ =	shalt  }
0x85: {  	_ =	shalt  }
0x86: {  	_ =	shalt  }
0x87: {  	_ =	shalt  }
.Lfunc_end0:
.L_simem_size_0:
called_computation_lowered:
.L_overlay_start_0:
0x88: {  	s2 =	sld [smem:$0x3FD9]  }
0x89: {  	s3 =	sld [smem:$0x3FFE];
	_ =	sdelay $0x1  }
0x8a: {  	s1 =	srdreg.scid  }
0x8b: {  	s0 =	sand.u32 $0x1, s1  }
0x8c: {  	s17 =	sshll.u32 s0, $0xA;
	s2 =	sadd.s32 s3, s2  }
0x8d: {  	s2 =	sadd.s32 s2, s17  }
0x8e: {  	[smem:$0x3FC6] =	sst s2  }
0x8f: {  	_ = 	snop  }
0x90: {  	s2 =	sld [smem:$0x3FD0];
	(tm) =	ssettm $0x1  }
0x91: {  	s18 =	sld [smem:$0x3FFB];
	_ =	sdelay $0x3  }
0x92: {  	_ =	strace s18  }
0x93: {  	s3 =	sld [smem:$0x3FFC];
	_ =	sdelay $0x3  }
0x94: {  	_ =	strace s3  }
0x95: {  	s3 =	sld [smem:$0x3FFD];
	_ =	sdelay $0x3  }
0x96: {  	_ =	strace s3  }
0x97: {  	_ =	strace $0x8FFFFFFF  }
0x98: {  	s19 =	sld [smem:$0x3FDB];
	_ =	sdelay $0x1  }
0x99: {  	s4 =	simm.s32 $_scs_section_size  }
0x9a: {  	s5 =	simm.s32 $_size__tile_overlayer_lowered;
	s6 =	simm.s32 $_tile_overlayer_lowered  }
0x9b: {  	s22 =	simm.s32 $0x1BFF;
	s21 =	sshll.u32 s6, $0x1;
	s3 =	sadd.s32 s4, s19  }
0x9c: {  	s7 =	simm.s32 $0x0;
	s20 =	sshll.u32 s5, $0x1;
	s5 =	sadd.s32 s21, s3  }
0x9d: {  	[timem:s7], [sflag:s22] =	dma.local [hbm:s5], s20  }
0x9e: {  	_ =	swait.ge [sflag:s22], s20  }
0x9f: {  	s4 =	ssub.s32 $0x0, s20;
	[sflag:s22] =	ssyncset.done $0x0  }
0xa0: {  	[sflag:s22] =	ssyncadd.s32 s4;
	_ =	sdelay $0x1  }
0xa1: {  	s23 =	simm.s32 $0x1B8B  }
0xa2: {  	_ =	swait.ge [sflag:s23], $0x1  }
0xa3: {  	[sflag:s23] =	ssyncset.done $0x0  }
0xa4: {  	s25 =	simm.s32 $0x1B8E;
	s24 =	sld [smem:$0x3FFE];
	[sflag:s23] =	ssyncadd.s32 $0xFFFFFFFF  }
0xa5: {  	s26 =	simm.s32 $execute0_lowered;
	[smem:$0x3FD2] =	sst s25  }
0xa6: {  	s5 =	sshll.u32 s26, $0x1;
	_ =	strace $0x80000046;
	[dreg:$0x1] =	wrdreg $0xFFFFFFFF  }
0xa7: {  	s28 =	simm.s32 $_size_execute0_lowered;
	s3 =	sadd.s32 s3, s5;
	[dreg:$0x0] =	wrdreg $0x0  }
0xa8: {  	s5 =	sshll.u32 s28, $0x1;
	[dreg:$0x2] =	wrdreg s3  }
0xa9: {  	[dreg:$0x3] =	wrdreg s5  }
0xaa: {  	[dreg:$0x4] =	wrdreg $0xC0  }
0xab: {  	_ =	task [dreg:s7], $0x5FFFF  }
0xac: {  	[dreg:$0x1] =	wrdreg $0xFFFFFFFF  }
0xad: {  	[dreg:$0x0] =	wrdreg $0x60  }
0xae: {  	[dreg:$0x2] =	wrdreg s24  }
0xaf: {  	[dreg:$0x3] =	wrdreg s2  }
0xb0: {  	[dreg:$0x4] =	wrdreg $0x9  }
0xb1: {  	_ =	task.clear_ibuf [dreg:s7], $0x5FFFF;
	_ =	strace $0x90000046  }
0xb2: {  	s29 =	simm.s32 $0x9;
	_ =	strace $0x80000048  }
0xb3: {  	_ =	swait.ge [sflag:s29], $0x1  }
0xb4: {  	[sflag:s29] =	ssyncadd.s32 $0xFFFFFFFF  }
0xb5: {  	_ =	strace $0x90000048  }
0xb6: {  	_ =	sfence  }
0xb7: {  	s30 =	sld [smem:$0x0];
	_ =	sdelay $0x2  }
0xb8: {  	s31 =	sshll.u32 s1, $0xD;
	s1 =	sshrl.u32 s1, $0x2  }
0xb9: {  	s3 =	sand.u32 $0x4000, s31;
	s1 =	sadd.s32 s1, s30  }
0xba: {  	s0 =	sor.u32 s3, s0;
	s1 =	sshll.u32 s1, $0x11  }
0xbb: {  	s0 =	sor.u32 s1, s0  }
0xbc: {  	s0 =	sadd.s32 $0x8F2B, s0  }
0xbd: {  	[sflag:s0] =	ssyncadd.remote.s32 $0x1  }
0xbe: {  	_ =	sfence.sel $0xFFFF  }
0xbf: {  	[dreg:$0x0] =	wrdreg $0xFFFFFFFF;
	(pc) =	sbr.abs _section_cstart, $3  }
0xc0: {  	[dreg:$0x1] =	wrdreg $0xFFFFFFFF  }
0xc1: {  	_ =	task.clear_ibuf [dreg:s7], $0x2FFFF;
	_ =	strace $0x9FFFFFFF  }
0xc2: {  	(tm) =	ssettm $0x7FFFFFFF  }
0xc3: {  	_ =	shalt  }
tec
execute0_lowered:
.L_overlay_start_1:
0x0: {  	(tag) =	ssettag $0x1  }
0x1: {  	v1 =	vimm.s32 $0x7654321  }
0x2: {  	v0 =	vlaneseq.u32;
	v3 =	vimm.s32 $0x10765432;
	v4 =	vimm.s32 $0x21076543  }
0x3: {  	s1 =	srdreg.scid;
	s4 =	rddreg [dreg:$0x0];
	v5 =	vimm.s32 $0x32107654;
	v6 =	vimm.s32 $0x43210765;
	v7 =	vimm.s32 $0x54321076  }
0x4: {  	s0 =	stileid.u32;
	s6 =	rddreg [dreg:$0x1];
	v8 =	vimm.s32 $0x65432107;
	v10 =	vimm.bf16 $0.0e+00;
	v2 =	vunpack.c.l.s4.s8 v1  }
0x5: {  	s2 =	simm.s32 $0x0;
	s10 =	simm.s32 $0x50;
	s11 =	simm.s32 $0x7530;
	v59 =	vmul.u32 $0x40, v0;
	v3 =	vunpack.c.l.s4.s8 v3;
	v4 =	vunpack.c.l.s4.s8 v4  }
0x6: {  	s12 =	simm.s32 $0x8930;
	s13 =	simm.s32 $0x9D30;
	s14 =	simm.s32 $0x2760;
	v5 =	vunpack.c.l.s4.s8 v5;
	v6 =	vunpack.c.l.s4.s8 v6;
	v7 =	vunpack.c.l.s4.s8 v7  }
0x7: {  	s15 =	simm.s32 $0xB130;
	s3 =	sand.u32 $0x1, s1;
	s30 =	sshll.u32 s0, $0x1;
	v8 =	vunpack.c.l.s4.s8 v8;
	v9 =	vand.u32 $0x7, v0;
	v60 =	vunpack.c.0.s8.s32 v2  }
0x8: {  	s16 =	simm.s32 $0x1;
	s17 =	simm.s32 $0x2;
	v11 =	vadd.s32 $0x1, v0;
	v12 =	vadd.s32 $0x2, v0;
	s1 =	sor.u32 s3, s30;
	[tilespmem:$0x1FFB0] =	vst v59;
	v61 =	vunpack.c.0.s8.s32 v3  }
0x9: {  	s18 =	simm.s32 $0x4E20;
	s19 =	simm.s32 $0x0;
	v13 =	vadd.s32 $0x3, v0;
	v14 =	vadd.s32 $0x4, v0;
	s5 =	smul.u32 $0x2710, s1;
	v62 =	vunpack.c.0.s8.s32 v4;
	[tilespmem:$0x1FFC0] =	vst v60  }
0xa: {  	[smem:$0x7FF] =	sst s2;
	v15 =	vadd.s32 $0x5, v0;
	v16 =	vadd.s32 $0x6, v0;
	v17 =	vadd.s32 $0x7, v0;
	s31 =	ssub.s32 $0x2, s3;
	s3 =	sadd.s32 $0x600, s4;
	[tilespmem:$0x1FFD0] =	vst v61  }
0xb: {  	v18 =	vadd.s32 $0x8, v0;
	v19 =	vadd.s32 $0x9, v0;
	v20 =	vadd.s32 $0xA, v0;
	s1 =	rddreg [dreg:$0x2];
	s9 =	sshrl.u32 s31, $0x1;
	s7 =	sshrl.u32 s5, $0x3;
	[tilespmem:$0x1FFE0] =	vst v62  }
0xc: {  	v21 =	vadd.s32 $0xB, v0;
	v22 =	vadd.s32 $0xC, v0;
	v63 =	vunpack.c.0.s8.s32 v5;
	s9 =	ssub.s32 s31, s9;
	_ =	strace $0x80000047;
	s8 =	sadd.s32 s7, s4  }
0xd: {  	v23 =	vadd.s32 $0xD, v0;
	v24 =	vadd.s32 $0xE, v0;
	v25 =	vadd.s32 $0xF, v0;
	s6 =	sadd.s32 s6, s7;
	s7 =	smax.u32 s9, $0x1;
	s9 =	simm.s32 $0x2710  }
0xe: {  	v6 =	vunpack.c.0.s8.s32 v6;
	v7 =	vunpack.c.0.s8.s32 v7;
	v8 =	vunpack.c.0.s8.s32 v8;
	[tilespmem:$0x1FFF0] =	vst v63;
	s4 =	sadd.s32 $0x14000, s8;
	s5 =	sadd.s32 $0x1DC40, s8;
	s8 =	simm.s32 $0x3  }
.LBB2_1:
0xf: {  	[tilespmem:s2], [sflag:$0x3] =	stream.linear.gather [hbm4b:s4+s2], $0x2710, $0x38;
	[tilespmem:$0xC530] =	vst v63  }
0x10: {  	_ =	swait.ge [sflag:s8], $0x2710  }
0x11: {  	[sflag:s8] =	ssyncset.done $0x0  }
0x12: {  	[sflag:s8] =	ssyncadd.s32 $0xFFFFD8F0  }
0x13: {  	[tilespmem:s9], [sflag:$0x3] =	stream.linear.gather [hbm4b:s5+s2], $0x2710, $0x38;
	[tilespmem:$0xC530] =	vst v63  }
0x14: {  	_ =	swait.ge [sflag:s8], $0x2710  }
0x15: {  	[sflag:s8] =	ssyncset.done $0x0  }
0x16: {  	[sflag:s8] =	ssyncadd.s32 $0xFFFFD8F0  }
0x17: {  	[tilespmem:s11], [sflag:$0x1] =	stream.indirect.gather [hbm4b:s3+s10], $0x40, s2, s10, $0xb8;
	[tilespmem:$0xC530] =	vst v63  }
0x18: {  	_ = 	snop  }
0x19: {  	[tilespmem:s12], [sflag:$0x1] =	stream.indirect.gather [hbm4b:s3+s10], $0x40, s9, s10, $0xb8;
	[tilespmem:$0xC530] =	vst v63  }
0x1a: {  	_ = 	snop  }
0x1b: {  	[tilespmem:s13], [sflag:$0x2] =	stream.indirect.gather [hbm4b:s3+s10], $0x40, s10, s10, $0xb8;
	[tilespmem:$0xC530] =	vst v63  }
0x1c: {  	s20 =	simm.s32 $0x0  }
0x1d: {  	[tilespmem:s15], [sflag:$0x2] =	stream.indirect.gather [hbm4b:s3+s10], $0x40, s14, s10, $0xb8;
	[tilespmem:$0xC530] =	vst v63  }
.LBB2_2:
0x1e: {  	_ =	swait.ge [sflag:s16], $0x1400  }
0x1f: {  	s21 =	smul.u32 $0x280, s20;
	[sflag:s16] =	ssyncset.done $0x0  }
0x20: {  	[sflag:s16] =	ssyncadd.s32 $0xFFFFEC00  }
0x21: {  	s21 =	sshra.s32 s21, $0x2;
	_ =	swait.ge [sflag:s16], $0x1400  }
0x22: {  	s23 =	sadd.s32 $0x4E20, s21;
	[sflag:s16] =	ssyncset.done $0x0  }
0x23: {  	s22 =	simm.s32 $0x0;
	v26 =	vmov s23;
	s23 =	simm.s32 $0x0;
	[sflag:s16] =	ssyncadd.s32 $0xFFFFEC00  }
.LBB2_3:
0x24: {  	v0 =	vld [tilespmem:$0x1FFB0];
	_ =	sdelay $0x1  }
0x25: {  	s24 =	sshll.u32 s23, $0x4  }
0x26: {  	v27 =	vmov s24  }
0x27: {  	v27 =	vshll.u32 v27, $0x6  }
0x28: {  	v54 =	vlaneseq.u32;
	v30 =	vor.u32 v0, v27  }
0x29: {  	v37 =	vor.u32 v54, v30  }
0x2a: {  	v59 =	vld [tilespmem:$0x1FFE0];
	v27 =	vadd.s32 s22, v17;
	v28 =	vor.u32 s22, v37  }
0x2b: {  	v29 =	vor.u32 v8, v30;
	v27 =	vand.u32 $0x38, v27  }
0x2c: {  	v32 =	vadd.s32 s22, v16;
	v57 =	vld [tilespmem:$0x1FFF0];
	v33 =	vor.u32 v27, v29  }
0x2d: {  	v60 =	vld [tilespmem:$0x1FFC0];
	v31 =	vor.u32 v7, v30;
	v27 =	vand.u32 $0x38, v32  }
0x2e: {  	v55 =	vadd.s32 s22, v15;
	v58 =	vadd.s32 s22, v13;
	v61 =	vld [tilespmem:$0x1FFD0];
	v35 =	vor.u32 v27, v31  }
0x2f: {  	v56 =	vadd.s32 s22, v14;
	v38 =	vor.u32 v59, v30;
	v32 =	vand.u32 $0x38, v58;
	v44 =	vld.idx.msk [tilespmem:v28+s11+$0x0], $0xffff  }
0x30: {  	v34 =	vor.u32 v6, v30;
	v27 =	vand.u32 $0x38, v55;
	v49 =	vor.u32 v32, v38;
	v46 =	vld.idx.msk [tilespmem:v28+s12+$0x0], $0xffff  }
0x31: {  	v36 =	vor.u32 v57, v30;
	v40 =	vor.u32 v27, v34;
	v28 =	vand.u32 $0x38, v56;
	v27 =	vld.idx.msk [tilespmem:v33+s11+$0x0], $0xffff  }
0x32: {  	v47 =	vor.u32 v28, v36;
	v28 =	vld.idx.msk [tilespmem:v33+s12+$0x0], $0xffff  }
0x33: {  	v48 =	vadd.s32 s22, v11;
	v33 =	vld.idx.msk [tilespmem:v35+s11+$0x0], $0xffff  }
0x34: {  	v62 =	vadd.s32 s22, v12;
	v48 =	vand.u32 $0x38, v48;
	v42 =	vor.u32 v60, v30;
	v35 =	vld.idx.msk [tilespmem:v35+s12+$0x0], $0xffff  }
0x35: {  	v41 =	vor.u32 v61, v30;
	v51 =	vor.u32 v48, v42;
	v32 =	vand.u32 $0x38, v62;
	v48 =	vld.idx.msk [tilespmem:v49+s11+$0x0], $0xffff  }
0x36: {  	v50 =	vor.u32 v32, v41;
	v39 =	vld.idx.msk [tilespmem:v40+s11+$0x0], $0xffff  }
0x37: {  	v63 =	vadd.s32 s22, v18;
	v40 =	vld.idx.msk [tilespmem:v40+s12+$0x0], $0xffff  }
0x38: {  	v52 =	vand.u32 $0x38, v63;
	v45 =	vld.idx.msk [tilespmem:v47+s11+$0x0], $0xffff  }
0x39: {  	s26 =	simm.s32 $0x10;
	s25 =	simm.s32 $0x0;
	v43 =	vor.u32 v9, v30;
	v30 =	vimm.f32 $0.0e+00;
	v32 =	vimm.f32 $0.0e+00;
	v47 =	vld.idx.msk [tilespmem:v47+s12+$0x0], $0xffff  }
.LBB2_4:
0x3a: {  	p0 =	sne.s32 s26, $0x30;
	v49 =	vld.idx.msk [tilespmem:v49+s12+$0x0], $0xffff;
	v52 =	vor.u32 v52, v43;
	v53 =	vadd.s32 s25, v19  }
0x3b: {  	v54 =	vld.idx.msk [tilespmem:v50+s11+$0x0], $0xffff;
	v53 =	vand.u32 $0x38, v53  }
0x3c: {  	v55 =	vadd.s32 s25, v20;
	v50 =	vld.idx.msk [tilespmem:v50+s12+$0x0], $0xffff;
	v53 =	vor.u32 v53, v42  }
0x3d: {  	v55 =	vand.u32 $0x38, v55;
	v56 =	vld.idx.msk [tilespmem:v51+s11+$0x0], $0xffff  }
0x3e: {  	v57 =	vadd.s32 s25, v21;
	v55 =	vor.u32 v55, v41;
	v51 =	vld.idx.msk [tilespmem:v51+s12+$0x0], $0xffff  }
0x3f: {  	v57 =	vand.u32 $0x38, v57;
	v58 =	vld.idx.msk [tilespmem:v52+s11+$0x0], $0xffff  }
0x40: {  	v59 =	vadd.s32 s25, v22;
	v60 =	vadd.s32 s25, v25;
	v57 =	vor.u32 v57, v38;
	v52 =	vld.idx.msk [tilespmem:v52+s12+$0x0], $0xffff  }
0x41: {  	v61 =	vadd.s32 s26, v17;
	v63 =	vadd.s32 s25, v24;
	v59 =	vand.u32 $0x38, v59;
	v62 =	vld.idx.msk [tilespmem:v53+s11+$0x0], $0xffff  }
0x42: {  	v0 =	vadd.s32 s26, v16;
	v1 =	vadd.s32 s25, v23;
	s25 =	smov.u32 s26;
	v59 =	vor.u32 v59, v36;
	v53 =	vld.idx.msk [tilespmem:v53+s12+$0x0], $0xffff  }
0x43: {  	v2 =	vadd.s32 s26, v14;
	v3 =	vadd.s32 s26, v15;
	v1 =	vand.u32 $0x38, v1;
	v4 =	vld.idx.msk [tilespmem:v55+s11+$0x0], $0xffff  }
0x44: {  	v44 =	vmul.bf16 v46, v44;
	v1 =	vor.u32 v1, v34;
	v46 =	vld.idx.msk [tilespmem:v55+s12+$0x0], $0xffff;
	v55 =	vand.u32 $0x38, v63  }
0x45: {  	v60 =	vand.u32 $0x38, v60;
	v63 =	vadd.s32 s26, v13;
	v5 =	vld.idx.msk [tilespmem:v57+s11+$0x0], $0xffff;
	v55 =	vor.u32 v55, v31  }
0x46: {  	v44 =	vadd.bf16 v10, v44;
	v51 =	vmul.bf16 v51, v56;
	v52 =	vmul.bf16 v52, v58;
	v56 =	vld.idx.msk [tilespmem:v57+s12+$0x0], $0xffff  }
0x47: {  	v50 =	vmul.bf16 v50, v54;
	v58 =	vor.u32 v60, v29;
	v57 =	vadd.s32 s26, v12;
	v54 =	vld.idx.msk [tilespmem:v59+s11+$0x0], $0xffff  }
0x48: {  	v44 =	vadd.bf16 v51, v44;
	v51 =	vadd.bf16 v10, v52;
	v52 =	vmul.bf16 v53, v62;
	v53 =	vld.idx.msk [tilespmem:v59+s12+$0x0], $0xffff  }
0x49: {  	v48 =	vmul.bf16 v49, v48;
	v60 =	vand.u32 $0x38, v61;
	v59 =	vor.u32 s26, v37;
	v49 =	vld.idx.msk [tilespmem:v1+s11+$0x0], $0xffff  }
0x4a: {  	v44 =	vadd.bf16 v50, v44;
	v50 =	vadd.bf16 v52, v51;
	v4 =	vmul.bf16 v46, v4;
	v1 =	vld.idx.msk [tilespmem:v1+s12+$0x0], $0xffff  }
0x4b: {  	v0 =	vand.u32 $0x38, v0;
	v45 =	vmul.bf16 v47, v45;
	v51 =	vor.u32 v60, v29;
	v47 =	vld.idx.msk [tilespmem:v55+s11+$0x0], $0xffff  }
0x4c: {  	v44 =	vadd.bf16 v48, v44;
	v4 =	vadd.bf16 v4, v50;
	v5 =	vmul.bf16 v56, v5;
	v48 =	vld.idx.msk [tilespmem:v55+s12+$0x0], $0xffff  }
0x4d: {  	v3 =	vand.u32 $0x38, v3;
	v39 =	vmul.bf16 v40, v39;
	v0 =	vor.u32 v0, v31;
	v40 =	vld.idx.msk [tilespmem:v58+s11+$0x0], $0xffff  }
0x4e: {  	v45 =	vadd.bf16 v45, v44;
	v4 =	vadd.bf16 v5, v4;
	v5 =	vmul.bf16 v53, v54;
	v50 =	vld.idx.msk [tilespmem:v58+s12+$0x0], $0xffff  }
0x4f: {  	v33 =	vmul.bf16 v35, v33;
	v2 =	vand.u32 $0x38, v2;
	v3 =	vor.u32 v3, v34;
	v44 =	vld.idx.msk [tilespmem:v59+s11+$0x0], $0xffff  }
0x50: {  	v35 =	vadd.bf16 v39, v45;
	v4 =	vadd.bf16 v5, v4;
	v1 =	vmul.bf16 v1, v49;
	v46 =	vld.idx.msk [tilespmem:v59+s12+$0x0], $0xffff  }
0x51: {  	v2 =	vor.u32 v2, v36;
	v39 =	vmul.bf16 v28, v27;
	v5 =	vand.u32 $0x38, v63;
	v27 =	vld.idx.msk [tilespmem:v51+s11+$0x0], $0xffff  }
0x52: {  	v45 =	vadd.bf16 v33, v35;
	v1 =	vadd.bf16 v1, v4;
	v4 =	vmul.bf16 v48, v47;
	v28 =	vld.idx.msk [tilespmem:v51+s12+$0x0], $0xffff  }
0x53: {  	v49 =	vor.u32 v5, v38;
	v47 =	vand.u32 $0x38, v57;
	v33 =	vld.idx.msk [tilespmem:v0+s11+$0x0], $0xffff  }
0x54: {  	v1 =	vadd.bf16 v4, v1;
	v4 =	vmul.bf16 v50, v40;
	v35 =	vld.idx.msk [tilespmem:v0+s12+$0x0], $0xffff;
	v0 =	vadd.bf16 v39, v45  }
.Ltmp0:
0x55: {  	v52 =	vadd.s32 s26, v18;
	v5 =	vadd.s32 s26, v11;
	v50 =	vor.u32 v47, v41;
	v39 =	vld.idx.msk [tilespmem:v3+s11+$0x0], $0xffff;
	(pc) =	sbr.rel @p0 .LBB2_4-.Ltmp0, $4  }
0x56: {  	v1 =	vadd.bf16 v4, v1;
	v40 =	vld.idx.msk [tilespmem:v3+s12+$0x0], $0xffff;
	v3 =	vunpack.i.u.bf16.f32 v0;
	v0 =	vunpack.i.l.bf16.f32 v0  }
0x57: {  	v4 =	vand.u32 $0x38, v5;
	v45 =	vld.idx.msk [tilespmem:v2+s11+$0x0], $0xffff;
	v0 =	vadd.f32 v0, v30;
	v3 =	vadd.f32 v3, v32  }
0x58: {  	v51 =	vor.u32 v4, v42;
	v47 =	vld.idx.msk [tilespmem:v2+s12+$0x0], $0xffff;
	v2 =	vunpack.i.u.bf16.f32 v1;
	v1 =	vunpack.i.l.bf16.f32 v1  }
0x59: {  	v52 =	vand.u32 $0x38, v52;
	s26 =	sadd.s32 $0x10, s26;
	v48 =	vld.idx.msk [tilespmem:v49+s11+$0x0], $0xffff;
	v30 =	vadd.f32 v1, v0;
	v32 =	vadd.f32 v2, v3  }
0x5a: {  	_ =	sdelay $0x3  }
0x5b: {  	v0 =	vld.idx.msk [tilespmem:v49+s12+$0x0], $0xffff;
	v1 =	vor.u32 v52, v43;
	v2 =	vadd.s32 s25, v19  }
0x5c: {  	v3 =	vld.idx.msk [tilespmem:v50+s11+$0x0], $0xffff;
	v2 =	vand.u32 $0x38, v2  }
0x5d: {  	v4 =	vld.idx.msk [tilespmem:v50+s12+$0x0], $0xffff;
	v5 =	vadd.s32 s25, v20;
	v2 =	vor.u32 v2, v42  }
0x5e: {  	v37 =	vld.idx.msk [tilespmem:v51+s11+$0x0], $0xffff;
	v5 =	vand.u32 $0x38, v5  }
0x5f: {  	v63 =	vld.idx.msk [tilespmem:v51+s12+$0x0], $0xffff;
	v58 =	vadd.s32 s25, v24;
	v5 =	vor.u32 v5, v41  }
0x60: {  	v54 =	vadd.s32 s25, v21;
	v61 =	vand.u32 $0x38, v58;
	v43 =	vld.idx.msk [tilespmem:v1+s11+$0x0], $0xffff  }
0x61: {  	v41 =	vand.u32 $0x38, v54;
	v31 =	vor.u32 v61, v31;
	v1 =	vld.idx.msk [tilespmem:v1+s12+$0x0], $0xffff  }
0x62: {  	v55 =	vadd.s32 s25, v22;
	v38 =	vor.u32 v41, v38;
	v56 =	vld.idx.msk [tilespmem:v2+s11+$0x0], $0xffff  }
0x63: {  	v41 =	vand.u32 $0x38, v55;
	v2 =	vld.idx.msk [tilespmem:v2+s12+$0x0], $0xffff  }
0x64: {  	v57 =	vadd.s32 s25, v23;
	v36 =	vor.u32 v41, v36;
	v59 =	vld.idx.msk [tilespmem:v5+s11+$0x0], $0xffff  }
0x65: {  	v44 =	vmul.bf16 v46, v44;
	v41 =	vand.u32 $0x38, v57;
	v5 =	vld.idx.msk [tilespmem:v5+s12+$0x0], $0xffff  }
0x66: {  	v60 =	vadd.s32 s25, v25;
	v34 =	vor.u32 v41, v34;
	v49 =	vld.idx.msk [tilespmem:v31+s11+$0x0], $0xffff  }
0x67: {  	v44 =	vadd.bf16 v10, v44;
	v37 =	vmul.bf16 v63, v37;
	v62 =	vld.idx.msk [tilespmem:v38+s11+$0x0], $0xffff;
	v1 =	vmul.bf16 v1, v43  }
0x68: {  	v63 =	vand.u32 $0x38, v60;
	v3 =	vmul.bf16 v4, v3;
	v38 =	vld.idx.msk [tilespmem:v38+s12+$0x0], $0xffff  }
0x69: {  	v37 =	vadd.bf16 v37, v44;
	v4 =	vld.idx.msk [tilespmem:v36+s11+$0x0], $0xffff;
	v1 =	vadd.bf16 v10, v1;
	v2 =	vmul.bf16 v2, v56  }
0x6a: {  	v0 =	vmul.bf16 v0, v48;
	v29 =	vor.u32 v63, v29;
	v36 =	vld.idx.msk [tilespmem:v36+s12+$0x0], $0xffff  }
0x6b: {  	v3 =	vadd.bf16 v3, v37;
	v44 =	vld.idx.msk [tilespmem:v34+s11+$0x0], $0xffff;
	v46 =	vmul.bf16 v5, v59;
	v1 =	vadd.bf16 v2, v1  }
0x6c: {  	v48 =	vmul.bf16 v47, v45;
	v5 =	vld.idx.msk [tilespmem:v34+s12+$0x0], $0xffff  }
0x6d: {  	v52 =	vld.idx.msk [tilespmem:v31+s12+$0x0], $0xffff;
	v0 =	vadd.bf16 v0, v3;
	v51 =	vmul.bf16 v38, v62;
	v1 =	vadd.bf16 v46, v1  }
0x6e: {  	v53 =	vmul.bf16 v40, v39  }
0x6f: {  	v54 =	vld.idx.msk [tilespmem:v29+s11+$0x0], $0xffff;
	v0 =	vadd.bf16 v48, v0;
	v55 =	vmul.bf16 v36, v4;
	v1 =	vadd.bf16 v51, v1  }
0x70: {  	v56 =	vmul.bf16 v35, v33;
	v4 =	vld.idx.msk [tilespmem:v29+s12+$0x0], $0xffff  }
0x71: {  	v0 =	vadd.bf16 v53, v0;
	v57 =	vmul.bf16 v5, v44;
	v1 =	vadd.bf16 v55, v1  }
0x72: {  	v58 =	vmul.bf16 v52, v49  }
0x73: {  	v5 =	vmul.bf16 v28, v27;
	v0 =	vadd.bf16 v56, v0;
	v1 =	vadd.bf16 v57, v1;
	_ =	sdelay $0x1  }
0x74: {  	v0 =	vadd.bf16 v5, v0;
	v59 =	vmul.bf16 v4, v54;
	v1 =	vadd.bf16 v58, v1;
	_ =	sdelay $0x1  }
0x75: {  	v60 =	vunpack.i.u.bf16.f32 v0;
	v0 =	vunpack.i.l.bf16.f32 v0;
	v1 =	vadd.bf16 v59, v1  }
0x76: {  	s23 =	sadd.s32 $0x1, s23;
	v0 =	vadd.f32 v0, v30;
	v61 =	vadd.f32 v60, v32  }
0x77: {  	p0 =	sne.s32 s23, $0x5;
	v62 =	vunpack.i.u.bf16.f32 v1;
	v1 =	vunpack.i.l.bf16.f32 v1  }
.Ltmp1:
0x78: {  	v0 =	vadd.f32 v1, v0;
	v63 =	vadd.f32 v62, v61;
	(pc) =	sbr.rel @p0 .LBB2_3-.Ltmp1, $3  }
0x79: {  	_ = 	snop  }
0x7a: {  	v0 =	vadd.f32 v63, v0;
	_ =	sdelay $0x1  }
0x7b: {  	[tilespmem:v26+s24+$0x0 ss:$0x1] =	vst.idx.msk $0xffff, v0  }
0x7c: {  	s22 =	smul.u32 $0xA0, s20;
	_ =	sdelay $0x1  }
0x7d: {  	s23 =	sadd.s32 $0xA0, s22  }
0x7e: {  	[tilespmem:s11], [sflag:$0x1] =	stream.indirect.gather [hbm4b:s3+s10], $0x40, s23, s10, $0xb8;
	[tilespmem:$0xC530] =	vst v63  }
0x7f: {  	s22 =	sadd.s32 $0x27B0, s22  }
0x80: {  	[tilespmem:s12], [sflag:$0x1] =	stream.indirect.gather [hbm4b:s3+s10], $0x40, s22, s10, $0xb8;
	[tilespmem:$0xC530] =	vst v63  }
0x81: {  	_ =	swait.ge [sflag:s17], $0x1400  }
0x82: {  	[sflag:s17] =	ssyncset.done $0x0  }
0x83: {  	[sflag:s17] =	ssyncadd.s32 $0xFFFFEC00  }
0x84: {  	_ =	swait.ge [sflag:s17], $0x1400  }
0x85: {  	s31 =	sadd.s32 $0x4E70, s21;
	[sflag:s17] =	ssyncset.done $0x0  }
0x86: {  	s21 =	simm.s32 $0x0;
	v26 =	vmov s31;
	s22 =	simm.s32 $0x0;
	[sflag:s17] =	ssyncadd.s32 $0xFFFFEC00  }
.LBB2_7:
0x87: {  	v1 =	vld [tilespmem:$0x1FFB0];
	_ =	sdelay $0x1  }
0x88: {  	s23 =	sshll.u32 s22, $0x4  }
0x89: {  	v0 =	vmov s23  }
0x8a: {  	v0 =	vshll.u32 v0, $0x6  }
0x8b: {  	v53 =	vlaneseq.u32;
	v0 =	vor.u32 v1, v0  }
0x8c: {  	v37 =	vor.u32 v53, v0  }
0x8d: {  	v54 =	vadd.s32 s21, v17;
	v2 =	vor.u32 s21, v37  }
0x8e: {  	v55 =	vld [tilespmem:$0x1FFF0];
	v1 =	vand.u32 $0x38, v54;
	v29 =	vor.u32 v8, v0  }
0x8f: {  	v3 =	vadd.s32 s21, v16;
	v57 =	vld [tilespmem:$0x1FFE0];
	v1 =	vor.u32 v1, v29  }
0x90: {  	v59 =	vld [tilespmem:$0x1FFC0];
	v3 =	vand.u32 $0x38, v3;
	v31 =	vor.u32 v7, v0  }
0x91: {  	v4 =	vadd.s32 s21, v15;
	v60 =	vld [tilespmem:$0x1FFD0];
	v3 =	vor.u32 v3, v31  }
0x92: {  	v5 =	vadd.s32 s21, v14;
	v4 =	vand.u32 $0x38, v4;
	v34 =	vor.u32 v6, v0;
	v44 =	vld.idx.msk [tilespmem:v2+s13+$0x0], $0xffff  }
0x93: {  	v56 =	vand.u32 $0x38, v5;
	v5 =	vadd.s32 s21, v13;
	v4 =	vor.u32 v4, v34;
	v46 =	vld.idx.msk [tilespmem:v2+s15+$0x0], $0xffff  }
0x94: {  	v58 =	vand.u32 $0x38, v5;
	v38 =	vor.u32 v57, v0;
	v27 =	vld.idx.msk [tilespmem:v1+s13+$0x0], $0xffff  }
0x95: {  	v36 =	vor.u32 v55, v0;
	v49 =	vor.u32 v58, v38;
	v28 =	vld.idx.msk [tilespmem:v1+s15+$0x0], $0xffff  }
0x96: {  	v2 =	vor.u32 v56, v36;
	v33 =	vld.idx.msk [tilespmem:v3+s13+$0x0], $0xffff  }
0x97: {  	v61 =	vadd.s32 s21, v12;
	v42 =	vor.u32 v59, v0;
	v35 =	vld.idx.msk [tilespmem:v3+s15+$0x0], $0xffff  }
0x98: {  	v41 =	vor.u32 v60, v0;
	v43 =	vor.u32 v9, v0;
	v0 =	vand.u32 $0x38, v61;
	v39 =	vld.idx.msk [tilespmem:v4+s13+$0x0], $0xffff  }
0x99: {  	v62 =	vadd.s32 s21, v11;
	v50 =	vor.u32 v0, v41;
	v40 =	vld.idx.msk [tilespmem:v4+s15+$0x0], $0xffff  }
0x9a: {  	v1 =	vand.u32 $0x38, v62;
	v48 =	vld.idx.msk [tilespmem:v49+s13+$0x0], $0xffff  }
0x9b: {  	v63 =	vadd.s32 s21, v18;
	v51 =	vor.u32 v1, v42;
	v45 =	vld.idx.msk [tilespmem:v2+s13+$0x0], $0xffff  }
0x9c: {  	v30 =	vimm.f32 $0.0e+00;
	s25 =	simm.s32 $0x10;
	s24 =	simm.s32 $0x0;
	v32 =	vimm.f32 $0.0e+00;
	v52 =	vand.u32 $0x38, v63;
	v47 =	vld.idx.msk [tilespmem:v2+s15+$0x0], $0xffff  }
.LBB2_8:
0x9d: {  	p0 =	sne.s32 s25, $0x30;
	v0 =	vld.idx.msk [tilespmem:v49+s15+$0x0], $0xffff;
	v1 =	vor.u32 v52, v43;
	v2 =	vadd.s32 s24, v19  }
0x9e: {  	v3 =	vld.idx.msk [tilespmem:v50+s13+$0x0], $0xffff;
	v2 =	vand.u32 $0x38, v2  }
0x9f: {  	v5 =	vadd.s32 s24, v20;
	v4 =	vld.idx.msk [tilespmem:v50+s15+$0x0], $0xffff;
	v2 =	vor.u32 v2, v42  }
0xa0: {  	v5 =	vand.u32 $0x38, v5;
	v49 =	vld.idx.msk [tilespmem:v51+s13+$0x0], $0xffff  }
0xa1: {  	v5 =	vor.u32 v5, v41;
	v50 =	vld.idx.msk [tilespmem:v51+s15+$0x0], $0xffff;
	v51 =	vadd.s32 s24, v21  }
0xa2: {  	v52 =	vld.idx.msk [tilespmem:v1+s13+$0x0], $0xffff;
	v51 =	vand.u32 $0x38, v51  }
0xa3: {  	v53 =	vadd.s32 s24, v22;
	v54 =	vadd.s32 s24, v25;
	v1 =	vld.idx.msk [tilespmem:v1+s15+$0x0], $0xffff;
	v51 =	vor.u32 v51, v38  }
0xa4: {  	v55 =	vadd.s32 s25, v17;
	v57 =	vadd.s32 s24, v24;
	v53 =	vand.u32 $0x38, v53;
	v56 =	vld.idx.msk [tilespmem:v2+s13+$0x0], $0xffff  }
0xa5: {  	v58 =	vadd.s32 s25, v16;
	v59 =	vadd.s32 s24, v23;
	v53 =	vor.u32 v53, v36;
	s24 =	smov.u32 s25;
	v2 =	vld.idx.msk [tilespmem:v2+s15+$0x0], $0xffff  }
0xa6: {  	v60 =	vadd.s32 s25, v14;
	v61 =	vadd.s32 s25, v15;
	v59 =	vand.u32 $0x38, v59;
	v62 =	vld.idx.msk [tilespmem:v5+s13+$0x0], $0xffff  }
0xa7: {  	v44 =	vmul.bf16 v46, v44;
	v57 =	vand.u32 $0x38, v57;
	v46 =	vor.u32 v59, v34;
	v5 =	vld.idx.msk [tilespmem:v5+s15+$0x0], $0xffff  }
0xa8: {  	v54 =	vand.u32 $0x38, v54;
	v59 =	vadd.s32 s25, v13;
	v57 =	vor.u32 v57, v31;
	v63 =	vld.idx.msk [tilespmem:v51+s13+$0x0], $0xffff  }
0xa9: {  	v44 =	vadd.bf16 v10, v44;
	v49 =	vmul.bf16 v50, v49;
	v1 =	vmul.bf16 v1, v52;
	v50 =	vld.idx.msk [tilespmem:v51+s15+$0x0], $0xffff  }
0xaa: {  	v3 =	vmul.bf16 v4, v3;
	v52 =	vor.u32 v54, v29;
	v51 =	vadd.s32 s25, v12;
	v4 =	vld.idx.msk [tilespmem:v53+s13+$0x0], $0xffff  }
0xab: {  	v44 =	vadd.bf16 v49, v44;
	v1 =	vadd.bf16 v10, v1;
	v2 =	vmul.bf16 v2, v56;
	v49 =	vld.idx.msk [tilespmem:v53+s15+$0x0], $0xffff  }
0xac: {  	v0 =	vmul.bf16 v0, v48;
	v54 =	vand.u32 $0x38, v55;
	v53 =	vor.u32 s25, v37;
	v48 =	vld.idx.msk [tilespmem:v46+s13+$0x0], $0xffff  }
0xad: {  	v3 =	vadd.bf16 v3, v44;
	v1 =	vadd.bf16 v2, v1;
	v2 =	vmul.bf16 v5, v62;
	v5 =	vld.idx.msk [tilespmem:v46+s15+$0x0], $0xffff  }
0xae: {  	v45 =	vmul.bf16 v47, v45;
	v54 =	vor.u32 v54, v29;
	v44 =	vand.u32 $0x38, v58;
	v47 =	vld.idx.msk [tilespmem:v57+s13+$0x0], $0xffff  }
0xaf: {  	v0 =	vadd.bf16 v0, v3;
	v1 =	vadd.bf16 v2, v1;
	v2 =	vmul.bf16 v50, v63;
	v3 =	vld.idx.msk [tilespmem:v57+s15+$0x0], $0xffff  }
0xb0: {  	v39 =	vmul.bf16 v40, v39;
	v46 =	vand.u32 $0x38, v61;
	v50 =	vor.u32 v44, v31;
	v40 =	vld.idx.msk [tilespmem:v52+s13+$0x0], $0xffff  }
0xb1: {  	v0 =	vadd.bf16 v45, v0;
	v1 =	vadd.bf16 v2, v1;
	v2 =	vmul.bf16 v49, v4;
	v4 =	vld.idx.msk [tilespmem:v52+s15+$0x0], $0xffff  }
0xb2: {  	v33 =	vmul.bf16 v35, v33;
	v45 =	vand.u32 $0x38, v60;
	v52 =	vor.u32 v46, v34;
	v44 =	vld.idx.msk [tilespmem:v53+s13+$0x0], $0xffff  }
0xb3: {  	v0 =	vadd.bf16 v39, v0;
	v1 =	vadd.bf16 v2, v1;
	v2 =	vmul.bf16 v5, v48;
	v46 =	vld.idx.msk [tilespmem:v53+s15+$0x0], $0xffff  }
0xb4: {  	v39 =	vmul.bf16 v28, v27;
	v5 =	vand.u32 $0x38, v59;
	v48 =	vor.u32 v45, v36;
	v27 =	vld.idx.msk [tilespmem:v54+s13+$0x0], $0xffff  }
0xb5: {  	v0 =	vadd.bf16 v33, v0;
	v1 =	vadd.bf16 v2, v1;
	v2 =	vmul.bf16 v3, v47;
	v28 =	vld.idx.msk [tilespmem:v54+s15+$0x0], $0xffff  }
0xb6: {  	v49 =	vor.u32 v5, v38;
	v3 =	vand.u32 $0x38, v51;
	v33 =	vld.idx.msk [tilespmem:v50+s13+$0x0], $0xffff  }
0xb7: {  	v0 =	vadd.bf16 v39, v0;
	v1 =	vadd.bf16 v2, v1;
	v2 =	vmul.bf16 v4, v40;
	v35 =	vld.idx.msk [tilespmem:v50+s15+$0x0], $0xffff  }
.Ltmp2:
0xb8: {  	v4 =	vadd.s32 s25, v11;
	v50 =	vor.u32 v3, v41;
	v3 =	vadd.s32 s25, v18;
	v39 =	vld.idx.msk [tilespmem:v52+s13+$0x0], $0xffff;
	(pc) =	sbr.rel @p0 .LBB2_8-.Ltmp2, $4  }
0xb9: {  	v5 =	vunpack.i.u.bf16.f32 v0;
	v0 =	vunpack.i.l.bf16.f32 v0;
	v1 =	vadd.bf16 v2, v1;
	v40 =	vld.idx.msk [tilespmem:v52+s15+$0x0], $0xffff  }
0xba: {  	v0 =	vadd.f32 v0, v30;
	v2 =	vand.u32 $0x38, v4;
	v4 =	vadd.f32 v5, v32;
	v45 =	vld.idx.msk [tilespmem:v48+s13+$0x0], $0xffff  }
0xbb: {  	v51 =	vor.u32 v2, v42;
	v2 =	vunpack.i.u.bf16.f32 v1;
	v1 =	vunpack.i.l.bf16.f32 v1;
	v47 =	vld.idx.msk [tilespmem:v48+s15+$0x0], $0xffff  }
0xbc: {  	s25 =	sadd.s32 $0x10, s25;
	v52 =	vand.u32 $0x38, v3;
	v30 =	vadd.f32 v1, v0;
	v32 =	vadd.f32 v2, v4;
	v48 =	vld.idx.msk [tilespmem:v49+s13+$0x0], $0xffff  }
0xbd: {  	_ =	sdelay $0x3  }
0xbe: {  	v0 =	vld.idx.msk [tilespmem:v49+s15+$0x0], $0xffff;
	v1 =	vor.u32 v52, v43;
	v2 =	vadd.s32 s24, v19  }
0xbf: {  	v3 =	vld.idx.msk [tilespmem:v50+s13+$0x0], $0xffff;
	v2 =	vand.u32 $0x38, v2  }
0xc0: {  	v4 =	vld.idx.msk [tilespmem:v50+s15+$0x0], $0xffff;
	v5 =	vadd.s32 s24, v20;
	v2 =	vor.u32 v2, v42  }
0xc1: {  	v37 =	vld.idx.msk [tilespmem:v51+s13+$0x0], $0xffff;
	v5 =	vand.u32 $0x38, v5  }
0xc2: {  	v63 =	vld.idx.msk [tilespmem:v51+s15+$0x0], $0xffff;
	v58 =	vadd.s32 s24, v24;
	v5 =	vor.u32 v5, v41  }
0xc3: {  	v54 =	vadd.s32 s24, v21;
	v61 =	vand.u32 $0x38, v58;
	v43 =	vld.idx.msk [tilespmem:v1+s13+$0x0], $0xffff  }
0xc4: {  	v41 =	vand.u32 $0x38, v54;
	v31 =	vor.u32 v61, v31;
	v1 =	vld.idx.msk [tilespmem:v1+s15+$0x0], $0xffff  }
0xc5: {  	v55 =	vadd.s32 s24, v22;
	v38 =	vor.u32 v41, v38;
	v56 =	vld.idx.msk [tilespmem:v2+s13+$0x0], $0xffff  }
0xc6: {  	v41 =	vand.u32 $0x38, v55;
	v2 =	vld.idx.msk [tilespmem:v2+s15+$0x0], $0xffff  }
0xc7: {  	v57 =	vadd.s32 s24, v23;
	v36 =	vor.u32 v41, v36;
	v59 =	vld.idx.msk [tilespmem:v5+s13+$0x0], $0xffff  }
0xc8: {  	v44 =	vmul.bf16 v46, v44;
	v41 =	vand.u32 $0x38, v57;
	v5 =	vld.idx.msk [tilespmem:v5+s15+$0x0], $0xffff  }
0xc9: {  	v60 =	vadd.s32 s24, v25;
	v34 =	vor.u32 v41, v34;
	v49 =	vld.idx.msk [tilespmem:v31+s13+$0x0], $0xffff  }
0xca: {  	v44 =	vadd.bf16 v10, v44;
	v37 =	vmul.bf16 v63, v37;
	v62 =	vld.idx.msk [tilespmem:v38+s13+$0x0], $0xffff;
	v1 =	vmul.bf16 v1, v43  }
0xcb: {  	v63 =	vand.u32 $0x38, v60;
	v3 =	vmul.bf16 v4, v3;
	v38 =	vld.idx.msk [tilespmem:v38+s15+$0x0], $0xffff  }
0xcc: {  	v37 =	vadd.bf16 v37, v44;
	v4 =	vld.idx.msk [tilespmem:v36+s13+$0x0], $0xffff;
	v1 =	vadd.bf16 v10, v1;
	v2 =	vmul.bf16 v2, v56  }
0xcd: {  	v0 =	vmul.bf16 v0, v48;
	v29 =	vor.u32 v63, v29;
	v36 =	vld.idx.msk [tilespmem:v36+s15+$0x0], $0xffff  }
0xce: {  	v3 =	vadd.bf16 v3, v37;
	v44 =	vld.idx.msk [tilespmem:v34+s13+$0x0], $0xffff;
	v46 =	vmul.bf16 v5, v59;
	v1 =	vadd.bf16 v2, v1  }
0xcf: {  	v48 =	vmul.bf16 v47, v45;
	v5 =	vld.idx.msk [tilespmem:v34+s15+$0x0], $0xffff  }
0xd0: {  	v52 =	vld.idx.msk [tilespmem:v31+s15+$0x0], $0xffff;
	v0 =	vadd.bf16 v0, v3;
	v51 =	vmul.bf16 v38, v62;
	v1 =	vadd.bf16 v46, v1  }
0xd1: {  	v53 =	vmul.bf16 v40, v39  }
0xd2: {  	v54 =	vld.idx.msk [tilespmem:v29+s13+$0x0], $0xffff;
	v0 =	vadd.bf16 v48, v0;
	v55 =	vmul.bf16 v36, v4;
	v1 =	vadd.bf16 v51, v1  }
0xd3: {  	v56 =	vmul.bf16 v35, v33;
	v4 =	vld.idx.msk [tilespmem:v29+s15+$0x0], $0xffff  }
0xd4: {  	v0 =	vadd.bf16 v53, v0;
	v57 =	vmul.bf16 v5, v44;
	v1 =	vadd.bf16 v55, v1  }
0xd5: {  	v58 =	vmul.bf16 v52, v49  }
0xd6: {  	v5 =	vmul.bf16 v28, v27;
	v0 =	vadd.bf16 v56, v0;
	v1 =	vadd.bf16 v57, v1;
	_ =	sdelay $0x1  }
0xd7: {  	v0 =	vadd.bf16 v5, v0;
	v59 =	vmul.bf16 v4, v54;
	v1 =	vadd.bf16 v58, v1;
	_ =	sdelay $0x1  }
0xd8: {  	v60 =	vunpack.i.u.bf16.f32 v0;
	v0 =	vunpack.i.l.bf16.f32 v0;
	v1 =	vadd.bf16 v59, v1  }
0xd9: {  	s22 =	sadd.s32 $0x1, s22;
	v0 =	vadd.f32 v0, v30;
	v61 =	vadd.f32 v60, v32  }
0xda: {  	p0 =	sne.s32 s22, $0x5;
	v62 =	vunpack.i.u.bf16.f32 v1;
	v1 =	vunpack.i.l.bf16.f32 v1  }
.Ltmp3:
0xdb: {  	v0 =	vadd.f32 v1, v0;
	v63 =	vadd.f32 v62, v61;
	(pc) =	sbr.rel @p0 .LBB2_7-.Ltmp3, $3  }
0xdc: {  	_ = 	snop  }
0xdd: {  	v0 =	vadd.f32 v63, v0;
	_ =	sdelay $0x1  }
0xde: {  	[tilespmem:v26+s23+$0x0 ss:$0x1] =	vst.idx.msk $0xffff, v0  }
0xdf: {  	s21 =	sshll.u32 s20, $0x1  }
0xe0: {  	s20 =	sadd.s32 $0x1, s20;
	s21 =	smin.u32 s21, $0x79  }
0xe1: {  	p0 =	sne.s32 s20, $0x3E;
	s21 =	smul.u32 $0x50, s21  }
.Ltmp4:
0xe2: {  	_ = 	snop;
	(pc) =	sbr.rel @p0 .LBB2_2-.Ltmp4, $4  }
0xe3: {  	s22 =	sadd.s32 $0xF0, s21  }
0xe4: {  	[tilespmem:s13], [sflag:$0x2] =	stream.indirect.gather [hbm4b:s3+s10], $0x40, s22, s10, $0xb8;
	[tilespmem:$0xC530] =	vst v63  }
0xe5: {  	s21 =	sadd.s32 $0x2800, s21  }
0xe6: {  	[tilespmem:s15], [sflag:$0x2] =	stream.indirect.gather [hbm4b:s3+s10], $0x40, s21, s10, $0xb8;
	[tilespmem:$0xC530] =	vst v63  }
0xe7: {  	_ =	swait.ge [sflag:s16], $0x1400  }
0xe8: {  	[sflag:s16] =	ssyncset.done $0x0  }
0xe9: {  	[sflag:s16] =	ssyncadd.s32 $0xFFFFEC00  }
0xea: {  	_ =	swait.ge [sflag:s16], $0x1400  }
0xeb: {  	[sflag:s16] =	ssyncset.done $0x0  }
0xec: {  	s20 =	simm.s32 $0x0;
	s21 =	simm.s32 $0x0;
	[sflag:s16] =	ssyncadd.s32 $0xFFFFEC00  }
.LBB2_12:
0xed: {  	v1 =	vld [tilespmem:$0x1FFB0];
	_ =	sdelay $0x1  }
0xee: {  	s22 =	sshll.u32 s21, $0x4  }
0xef: {  	v0 =	vmov s22  }
0xf0: {  	v0 =	vshll.u32 v0, $0x6  }
0xf1: {  	v53 =	vlaneseq.u32;
	v0 =	vor.u32 v1, v0  }
0xf2: {  	v36 =	vor.u32 v53, v0  }
0xf3: {  	v54 =	vadd.s32 s20, v17;
	v2 =	vor.u32 s20, v36  }
0xf4: {  	v55 =	vld [tilespmem:$0x1FFF0];
	v1 =	vand.u32 $0x38, v54;
	v28 =	vor.u32 v8, v0  }
0xf5: {  	v3 =	vadd.s32 s20, v16;
	v57 =	vld [tilespmem:$0x1FFE0];
	v1 =	vor.u32 v1, v28  }
0xf6: {  	v59 =	vld [tilespmem:$0x1FFC0];
	v3 =	vand.u32 $0x38, v3;
	v30 =	vor.u32 v7, v0  }
0xf7: {  	v4 =	vadd.s32 s20, v15;
	v60 =	vld [tilespmem:$0x1FFD0];
	v3 =	vor.u32 v3, v30  }
0xf8: {  	v5 =	vadd.s32 s20, v14;
	v4 =	vand.u32 $0x38, v4;
	v33 =	vor.u32 v6, v0;
	v43 =	vld.idx.msk [tilespmem:v2+s11+$0x0], $0xffff  }
0xf9: {  	v56 =	vand.u32 $0x38, v5;
	v5 =	vadd.s32 s20, v13;
	v4 =	vor.u32 v4, v33;
	v45 =	vld.idx.msk [tilespmem:v2+s12+$0x0], $0xffff  }
0xfa: {  	v58 =	vand.u32 $0x38, v5;
	v37 =	vor.u32 v57, v0;
	v26 =	vld.idx.msk [tilespmem:v1+s11+$0x0], $0xffff  }
0xfb: {  	v35 =	vor.u32 v55, v0;
	v48 =	vor.u32 v58, v37;
	v27 =	vld.idx.msk [tilespmem:v1+s12+$0x0], $0xffff  }
0xfc: {  	v2 =	vor.u32 v56, v35;
	v32 =	vld.idx.msk [tilespmem:v3+s11+$0x0], $0xffff  }
0xfd: {  	v61 =	vadd.s32 s20, v12;
	v41 =	vor.u32 v59, v0;
	v34 =	vld.idx.msk [tilespmem:v3+s12+$0x0], $0xffff  }
0xfe: {  	v40 =	vor.u32 v60, v0;
	v42 =	vor.u32 v9, v0;
	v0 =	vand.u32 $0x38, v61;
	v38 =	vld.idx.msk [tilespmem:v4+s11+$0x0], $0xffff  }
0xff: {  	v62 =	vadd.s32 s20, v11;
	v49 =	vor.u32 v0, v40;
	v39 =	vld.idx.msk [tilespmem:v4+s12+$0x0], $0xffff  }
0x100: {  	v1 =	vand.u32 $0x38, v62;
	v47 =	vld.idx.msk [tilespmem:v48+s11+$0x0], $0xffff  }
0x101: {  	v63 =	vadd.s32 s20, v18;
	v50 =	vor.u32 v1, v41;
	v44 =	vld.idx.msk [tilespmem:v2+s11+$0x0], $0xffff  }
0x102: {  	v29 =	vimm.f32 $0.0e+00;
	s24 =	simm.s32 $0x10;
	s23 =	simm.s32 $0x0;
	v31 =	vimm.f32 $0.0e+00;
	v51 =	vand.u32 $0x38, v63;
	v46 =	vld.idx.msk [tilespmem:v2+s12+$0x0], $0xffff  }
.LBB2_13:
0x103: {  	p0 =	sne.s32 s24, $0x30;
	v0 =	vld.idx.msk [tilespmem:v48+s12+$0x0], $0xffff;
	v1 =	vor.u32 v51, v42;
	v2 =	vadd.s32 s23, v19  }
0x104: {  	v3 =	vld.idx.msk [tilespmem:v49+s11+$0x0], $0xffff;
	v2 =	vand.u32 $0x38, v2  }
0x105: {  	v5 =	vadd.s32 s23, v20;
	v4 =	vld.idx.msk [tilespmem:v49+s12+$0x0], $0xffff;
	v2 =	vor.u32 v2, v41  }
0x106: {  	v5 =	vand.u32 $0x38, v5;
	v48 =	vld.idx.msk [tilespmem:v50+s11+$0x0], $0xffff  }
0x107: {  	v5 =	vor.u32 v5, v40;
	v49 =	vld.idx.msk [tilespmem:v50+s12+$0x0], $0xffff;
	v50 =	vadd.s32 s23, v21  }
0x108: {  	v51 =	vld.idx.msk [tilespmem:v1+s11+$0x0], $0xffff;
	v50 =	vand.u32 $0x38, v50  }
0x109: {  	v52 =	vadd.s32 s23, v22;
	v53 =	vadd.s32 s23, v25;
	v1 =	vld.idx.msk [tilespmem:v1+s12+$0x0], $0xffff;
	v50 =	vor.u32 v50, v37  }
0x10a: {  	v54 =	vadd.s32 s24, v17;
	v56 =	vadd.s32 s23, v24;
	v52 =	vand.u32 $0x38, v52;
	v55 =	vld.idx.msk [tilespmem:v2+s11+$0x0], $0xffff  }
0x10b: {  	v57 =	vadd.s32 s24, v16;
	v58 =	vadd.s32 s23, v23;
	v52 =	vor.u32 v52, v35;
	s23 =	smov.u32 s24;
	v2 =	vld.idx.msk [tilespmem:v2+s12+$0x0], $0xffff  }
0x10c: {  	v59 =	vadd.s32 s24, v14;
	v60 =	vadd.s32 s24, v15;
	v58 =	vand.u32 $0x38, v58;
	v61 =	vld.idx.msk [tilespmem:v5+s11+$0x0], $0xffff  }
0x10d: {  	v43 =	vmul.bf16 v45, v43;
	v56 =	vand.u32 $0x38, v56;
	v45 =	vor.u32 v58, v33;
	v5 =	vld.idx.msk [tilespmem:v5+s12+$0x0], $0xffff  }
0x10e: {  	v53 =	vand.u32 $0x38, v53;
	v58 =	vadd.s32 s24, v13;
	v56 =	vor.u32 v56, v30;
	v62 =	vld.idx.msk [tilespmem:v50+s11+$0x0], $0xffff  }
0x10f: {  	v43 =	vadd.bf16 v10, v43;
	v48 =	vmul.bf16 v49, v48;
	v1 =	vmul.bf16 v1, v51;
	v49 =	vld.idx.msk [tilespmem:v50+s12+$0x0], $0xffff  }
0x110: {  	v3 =	vmul.bf16 v4, v3;
	v51 =	vor.u32 v53, v28;
	v50 =	vadd.s32 s24, v12;
	v4 =	vld.idx.msk [tilespmem:v52+s11+$0x0], $0xffff  }
0x111: {  	v43 =	vadd.bf16 v48, v43;
	v1 =	vadd.bf16 v10, v1;
	v2 =	vmul.bf16 v2, v55;
	v48 =	vld.idx.msk [tilespmem:v52+s12+$0x0], $0xffff  }
0x112: {  	v0 =	vmul.bf16 v0, v47;
	v53 =	vand.u32 $0x38, v54;
	v52 =	vor.u32 s24, v36;
	v47 =	vld.idx.msk [tilespmem:v45+s11+$0x0], $0xffff  }
0x113: {  	v3 =	vadd.bf16 v3, v43;
	v1 =	vadd.bf16 v2, v1;
	v2 =	vmul.bf16 v5, v61;
	v5 =	vld.idx.msk [tilespmem:v45+s12+$0x0], $0xffff  }
0x114: {  	v44 =	vmul.bf16 v46, v44;
	v53 =	vor.u32 v53, v28;
	v43 =	vand.u32 $0x38, v57;
	v46 =	vld.idx.msk [tilespmem:v56+s11+$0x0], $0xffff  }
0x115: {  	v0 =	vadd.bf16 v0, v3;
	v1 =	vadd.bf16 v2, v1;
	v2 =	vmul.bf16 v49, v62;
	v3 =	vld.idx.msk [tilespmem:v56+s12+$0x0], $0xffff  }
0x116: {  	v38 =	vmul.bf16 v39, v38;
	v45 =	vand.u32 $0x38, v60;
	v49 =	vor.u32 v43, v30;
	v39 =	vld.idx.msk [tilespmem:v51+s11+$0x0], $0xffff  }
0x117: {  	v0 =	vadd.bf16 v44, v0;
	v1 =	vadd.bf16 v2, v1;
	v2 =	vmul.bf16 v48, v4;
	v4 =	vld.idx.msk [tilespmem:v51+s12+$0x0], $0xffff  }
0x118: {  	v32 =	vmul.bf16 v34, v32;
	v44 =	vand.u32 $0x38, v59;
	v51 =	vor.u32 v45, v33;
	v43 =	vld.idx.msk [tilespmem:v52+s11+$0x0], $0xffff  }
0x119: {  	v0 =	vadd.bf16 v38, v0;
	v1 =	vadd.bf16 v2, v1;
	v2 =	vmul.bf16 v5, v47;
	v45 =	vld.idx.msk [tilespmem:v52+s12+$0x0], $0xffff  }
0x11a: {  	v38 =	vmul.bf16 v27, v26;
	v5 =	vand.u32 $0x38, v58;
	v47 =	vor.u32 v44, v35;
	v26 =	vld.idx.msk [tilespmem:v53+s11+$0x0], $0xffff  }
0x11b: {  	v0 =	vadd.bf16 v32, v0;
	v1 =	vadd.bf16 v2, v1;
	v2 =	vmul.bf16 v3, v46;
	v27 =	vld.idx.msk [tilespmem:v53+s12+$0x0], $0xffff  }
0x11c: {  	v48 =	vor.u32 v5, v37;
	v3 =	vand.u32 $0x38, v50;
	v32 =	vld.idx.msk [tilespmem:v49+s11+$0x0], $0xffff  }
0x11d: {  	v0 =	vadd.bf16 v38, v0;
	v1 =	vadd.bf16 v2, v1;
	v2 =	vmul.bf16 v4, v39;
	v34 =	vld.idx.msk [tilespmem:v49+s12+$0x0], $0xffff  }
.Ltmp5:
0x11e: {  	v4 =	vadd.s32 s24, v11;
	v49 =	vor.u32 v3, v40;
	v3 =	vadd.s32 s24, v18;
	v38 =	vld.idx.msk [tilespmem:v51+s11+$0x0], $0xffff;
	(pc) =	sbr.rel @p0 .LBB2_13-.Ltmp5, $4  }
0x11f: {  	v5 =	vunpack.i.u.bf16.f32 v0;
	v0 =	vunpack.i.l.bf16.f32 v0;
	v1 =	vadd.bf16 v2, v1;
	v39 =	vld.idx.msk [tilespmem:v51+s12+$0x0], $0xffff  }
0x120: {  	v0 =	vadd.f32 v0, v29;
	v2 =	vand.u32 $0x38, v4;
	v4 =	vadd.f32 v5, v31;
	v44 =	vld.idx.msk [tilespmem:v47+s11+$0x0], $0xffff  }
0x121: {  	v50 =	vor.u32 v2, v41;
	v2 =	vunpack.i.u.bf16.f32 v1;
	v1 =	vunpack.i.l.bf16.f32 v1;
	v46 =	vld.idx.msk [tilespmem:v47+s12+$0x0], $0xffff  }
0x122: {  	s24 =	sadd.s32 $0x10, s24;
	v51 =	vand.u32 $0x38, v3;
	v29 =	vadd.f32 v1, v0;
	v31 =	vadd.f32 v2, v4;
	v47 =	vld.idx.msk [tilespmem:v48+s11+$0x0], $0xffff  }
0x123: {  	_ =	sdelay $0x3  }
0x124: {  	v0 =	vld.idx.msk [tilespmem:v48+s12+$0x0], $0xffff;
	v1 =	vor.u32 v51, v42;
	v2 =	vadd.s32 s23, v19  }
0x125: {  	v3 =	vld.idx.msk [tilespmem:v49+s11+$0x0], $0xffff;
	v2 =	vand.u32 $0x38, v2  }
0x126: {  	v4 =	vld.idx.msk [tilespmem:v49+s12+$0x0], $0xffff;
	v5 =	vadd.s32 s23, v20;
	v2 =	vor.u32 v2, v41  }
0x127: {  	v36 =	vld.idx.msk [tilespmem:v50+s11+$0x0], $0xffff;
	v5 =	vand.u32 $0x38, v5  }
0x128: {  	v53 =	vld.idx.msk [tilespmem:v50+s12+$0x0], $0xffff;
	v58 =	vadd.s32 s23, v24;
	v5 =	vor.u32 v5, v40  }
0x129: {  	v54 =	vadd.s32 s23, v21;
	v61 =	vand.u32 $0x38, v58;
	v42 =	vld.idx.msk [tilespmem:v1+s11+$0x0], $0xffff  }
0x12a: {  	v40 =	vand.u32 $0x38, v54;
	v30 =	vor.u32 v61, v30;
	v1 =	vld.idx.msk [tilespmem:v1+s12+$0x0], $0xffff  }
0x12b: {  	v55 =	vadd.s32 s23, v22;
	v37 =	vor.u32 v40, v37;
	v56 =	vld.idx.msk [tilespmem:v2+s11+$0x0], $0xffff  }
0x12c: {  	v40 =	vand.u32 $0x38, v55;
	v2 =	vld.idx.msk [tilespmem:v2+s12+$0x0], $0xffff  }
0x12d: {  	v57 =	vadd.s32 s23, v23;
	v35 =	vor.u32 v40, v35;
	v59 =	vld.idx.msk [tilespmem:v5+s11+$0x0], $0xffff  }
0x12e: {  	v43 =	vmul.bf16 v45, v43;
	v40 =	vand.u32 $0x38, v57;
	v5 =	vld.idx.msk [tilespmem:v5+s12+$0x0], $0xffff  }
0x12f: {  	v60 =	vadd.s32 s23, v25;
	v33 =	vor.u32 v40, v33;
	v50 =	vld.idx.msk [tilespmem:v30+s11+$0x0], $0xffff  }
0x130: {  	v43 =	vadd.bf16 v10, v43;
	v36 =	vmul.bf16 v53, v36;
	v62 =	vld.idx.msk [tilespmem:v37+s11+$0x0], $0xffff;
	v1 =	vmul.bf16 v1, v42  }
0x131: {  	v63 =	vand.u32 $0x38, v60;
	v3 =	vmul.bf16 v4, v3;
	v37 =	vld.idx.msk [tilespmem:v37+s12+$0x0], $0xffff  }
0x132: {  	v36 =	vadd.bf16 v36, v43;
	v4 =	vld.idx.msk [tilespmem:v35+s11+$0x0], $0xffff;
	v1 =	vadd.bf16 v10, v1;
	v2 =	vmul.bf16 v2, v56  }
0x133: {  	v28 =	vor.u32 v63, v28;
	v0 =	vmul.bf16 v0, v47;
	v35 =	vld.idx.msk [tilespmem:v35+s12+$0x0], $0xffff  }
0x134: {  	v3 =	vadd.bf16 v3, v36;
	v45 =	vld.idx.msk [tilespmem:v33+s11+$0x0], $0xffff;
	v47 =	vmul.bf16 v5, v59;
	v1 =	vadd.bf16 v2, v1  }
0x135: {  	v48 =	vmul.bf16 v46, v44;
	v5 =	vld.idx.msk [tilespmem:v33+s12+$0x0], $0xffff  }
0x136: {  	v52 =	vld.idx.msk [tilespmem:v30+s12+$0x0], $0xffff;
	v0 =	vadd.bf16 v0, v3;
	v51 =	vmul.bf16 v37, v62;
	v1 =	vadd.bf16 v47, v1  }
0x137: {  	v53 =	vmul.bf16 v39, v38  }
0x138: {  	v54 =	vld.idx.msk [tilespmem:v28+s11+$0x0], $0xffff;
	v0 =	vadd.bf16 v48, v0;
	v55 =	vmul.bf16 v35, v4;
	v1 =	vadd.bf16 v51, v1  }
0x139: {  	v56 =	vmul.bf16 v34, v32;
	v4 =	vld.idx.msk [tilespmem:v28+s12+$0x0], $0xffff  }
0x13a: {  	v0 =	vadd.bf16 v53, v0;
	v57 =	vmul.bf16 v5, v45;
	v1 =	vadd.bf16 v55, v1  }
0x13b: {  	v58 =	vmul.bf16 v52, v50  }
0x13c: {  	v5 =	vmul.bf16 v27, v26;
	v0 =	vadd.bf16 v56, v0;
	v1 =	vadd.bf16 v57, v1;
	_ =	sdelay $0x1  }
0x13d: {  	v0 =	vadd.bf16 v5, v0;
	v59 =	vmul.bf16 v4, v54;
	v1 =	vadd.bf16 v58, v1;
	_ =	sdelay $0x1  }
0x13e: {  	v60 =	vunpack.i.u.bf16.f32 v0;
	v0 =	vunpack.i.l.bf16.f32 v0;
	v1 =	vadd.bf16 v59, v1  }
0x13f: {  	s21 =	sadd.s32 $0x1, s21;
	v0 =	vadd.f32 v0, v29;
	v61 =	vadd.f32 v60, v31  }
0x140: {  	p0 =	sne.s32 s21, $0x5;
	v62 =	vunpack.i.u.bf16.f32 v1;
	v1 =	vunpack.i.l.bf16.f32 v1  }
.Ltmp6:
0x141: {  	v0 =	vadd.f32 v1, v0;
	v63 =	vadd.f32 v62, v61;
	(pc) =	sbr.rel @p0 .LBB2_12-.Ltmp6, $3  }
0x142: {  	_ = 	snop  }
0x143: {  	v0 =	vadd.f32 v63, v0;
	_ =	sdelay $0x1  }
0x144: {  	[tilespmem:s22+$0x74E0] =	vst v0  }
0x145: {  	_ =	swait.ge [sflag:s17], $0x1400  }
0x146: {  	[sflag:s17] =	ssyncset.done $0x0  }
0x147: {  	[sflag:s17] =	ssyncadd.s32 $0xFFFFEC00  }
0x148: {  	s19 =	sadd.s32 $0x1, s19;
	_ =	swait.ge [sflag:s17], $0x1400  }
0x149: {  	p0 =	sne.s32 s19, s7;
	[sflag:s17] =	ssyncset.done $0x0  }
.Ltmp7:
0x14a: {  	[sflag:s17] =	ssyncadd.s32 $0xFFFFEC00;
	(pc) =	sbr.rel @p0 .LBB2_1-.Ltmp7, $4  }
0x14b: {  	[hbm4b:s6+s2] =	stream.linear.scatter [tilespmem:s18], [sflag:$0x3], $0x2710, $0x38;
	[tilespmem:$0xC530] =	vst v63  }
0x14c: {  	_ =	swait.ge [sflag:s8], $0x2710  }
0x14d: {  	[sflag:s8] =	ssyncset.done $0x0  }
0x14e: {  	[sflag:s8] =	ssyncadd.s32 $0xFFFFD8F0  }
0x14f: {  	_ =	sfence.sel $0x180000  }
0x150: {  	[bflag:$0x0] =	sbarrier.arrive $0xFFFF  }
0x151: {  	p0 =	sne.s32 s0, $0x0;
	_ =	strace $0x90000047  }
0x152: {  	s0 =	sadd.s32 @!p0 $0x100000, s1;
	[bflag:$0x2] =	sbarrier.arrive $0xFFFF  }
0x153: {  	[sflag:s0] =	ssyncadd.tile.s32 @!p0 $0x1;
	_ =	shalt  }
.Lfunc_end2:
_tile_overlayer_lowered:
.L_overlay_start_2:
0x154: {  	(tag) =	ssettag $0x2  }
0x155: {  	s0 =	rddreg [dreg:$0x0];
	s2 =	stileid.u32  }
0x156: {  	s1 =	rddreg [dreg:$0x1];
	p0 =	sne.s32 s2, $0x0  }
0x157: {  	s3 =	rddreg [dreg:$0x2];
	[bflag:$0x3] =	sbarrier.arrive $0xFFFF;
	s2 =	simm.s32 @!p0 $0x1C03  }
0x158: {  	[timem:s3], [sflag:s2] =	dma.local @!p0 [hbm:s0], s1  }
0x159: {  	s0 =	simm.s32 @!p0 $0x3  }
0x15a: {  	_ =	swait.ge @!p0 [sflag:s0], s1  }
0x15b: {  	s1 =	ssub.s32 @!p0 $0x0, s1;
	[sflag:s0] =	ssyncset.done @!p0 $0x0  }
0x15c: {  	[sflag:s0] =	ssyncadd.s32 @!p0 s1  }
0x15d: {  	[bflag:$0x3] =	sbarrier.arrive $0xFFFF  }
0x15e: {  	_ =	shalt  }

</sc_bundles>
